<compile_context>
chip_gen: v7x
topology: tpu7x:2x2x1
jax: 0.10.2.dev20260603
libtpu: 0.0.44.dev20260713+nightly
codegen_flags: <defaults>
</compile_context>

<pallas_src>
import dataclasses
import functools
import math

import jax
import jax.numpy as jnp
from jax import lax
from jax.experimental import pallas as pl
from jax.experimental.pallas import tpu as pltpu
from jax.experimental.pallas import tpu_sc as plsc

N = 10000
E = 320000
D = 128
NC = 2
NS = 16
NW = NC * NS
CH = 128
CPW = 80
EPAD = NW * CPW * CH
NPAD = 10240
STRIPE = NPAD // NS
ZROWS = 128
SCALE = math.sqrt(0.5)

def _sc_params():
    cp = pltpu.CompilerParams()
    if "needs_layout_passes" in pltpu.CompilerParams.__dataclass_fields__:
        cp = dataclasses.replace(cp, needs_layout_passes=False)
    return cp


@functools.cache
def _mesh():
    return plsc.VectorSubcoreMesh(
        core_axis_name="c", subcore_axis_name="s", num_cores=NC, num_subcores=NS
    )


def _deg_sc(src2d, dst2d):

    @functools.partial(
        pl.kernel,
        out_type=jax.ShapeDtypeStruct((2 * NW, NPAD), jnp.float32),
        mesh=_mesh(),
        scratch_types=[
            pltpu.VMEM((CPW, CH), jnp.int32),
            pltpu.VMEM((CPW, CH), jnp.int32),
            pltpu.VMEM((NPAD,), jnp.float32),
            pltpu.VMEM((NPAD,), jnp.float32),
        ],
        compiler_params=_sc_params(),
    )
    def k(s_hbm, d_hbm, out_hbm, sidx, didx, deg_s, deg_d):
        c = lax.axis_index("c")
        s = lax.axis_index("s")
        w = c * NS + s
        zero16 = jnp.zeros((16,), jnp.float32)
        one16 = jnp.ones((16,), jnp.float32)

        @pl.loop(0, NPAD // 16)
        def _(i):
            deg_s[pl.ds(i * 16, 16)] = zero16
            deg_d[pl.ds(i * 16, 16)] = zero16

        pltpu.sync_copy(s_hbm.at[pl.ds(w * CPW, CPW)], sidx)
        pltpu.sync_copy(d_hbm.at[pl.ds(w * CPW, CPW)], didx)

        @pl.loop(0, CPW)
        def _(g):
            @pl.loop(0, CH // 16)
            def _(j):
                si = sidx[g, pl.ds(j * 16, 16)]
                di = didx[g, pl.ds(j * 16, 16)]
                plsc.addupdate_scatter(deg_s, [si], one16)
                plsc.addupdate_scatter(deg_d, [di], one16)

        pltpu.sync_copy(deg_s, out_hbm.at[w])
        pltpu.sync_copy(deg_d, out_hbm.at[NW + w])

    return k(src2d, dst2d)


def _agg_sc(h_pad, src2d, dst2d):

    @functools.partial(
        pl.kernel,
        out_type=jax.ShapeDtypeStruct((NC * NPAD, D), jnp.float32),
        mesh=_mesh(),
        scratch_types=[
            pltpu.VMEM((CPW, CH), jnp.int32),
            pltpu.VMEM((CPW, CH), jnp.int32),
            pltpu.VMEM((CH, D), jnp.float32),
            pltpu.VMEM_SHARED((NPAD, D), jnp.float32),
            pltpu.SemaphoreType.DMA,
        ],
    )
    def k(h_hbm, s_hbm, d_hbm, out_hbm, sidx, didx, rows, agg, sem):
        c = lax.axis_index("c")
        s = lax.axis_index("s")
        w = c * NS + s

        @pl.loop(0, CH)
        def _(i):
            @pl.loop(0, D // 16)
            def _(j):
                rows[i, pl.ds(j * 16, 16)] = jnp.zeros((16,), jnp.float32)

        @pl.loop(0, STRIPE // ZROWS)
        def _(t):
            pltpu.sync_copy(rows, agg.at[pl.ds(s * STRIPE + t * ZROWS, ZROWS)])

        plsc.subcore_barrier()

        pltpu.sync_copy(s_hbm.at[pl.ds(w * CPW, CPW)], sidx)
        pltpu.sync_copy(d_hbm.at[pl.ds(w * CPW, CPW)], didx)

        @pl.loop(0, CPW)
        def _(g):
            pltpu.async_copy(h_hbm.at[sidx.at[g]], rows, sem).wait()
            pltpu.sync_copy(rows, agg.at[didx.at[g]], add=True)

        plsc.subcore_barrier()
        pltpu.sync_copy(
            agg.at[pl.ds(s * STRIPE, STRIPE)],
            out_hbm.at[pl.ds(c * NPAD + s * STRIPE, STRIPE)],
        )

    return k(h_pad, src2d, dst2d)


def _tc_fc(inputs, Wfc, bfc):
    def body(x_ref, w_ref, b_ref, o_ref):
        o_ref[...] = (
            jnp.dot(x_ref[...], w_ref[...], preferred_element_type=jnp.float32)
            + b_ref[...]
        )

    return pl.pallas_call(
        body, out_shape=jax.ShapeDtypeStruct((N, D), jnp.float32)
    )(inputs, Wfc, bfc)


def _tc_norms(x, degs):

    def body(x_ref, deg_ref, y_ref, ns_ref, nd_ref):
        dsrc = jnp.sum(deg_ref[0:NW, 0:N], axis=0)[:, None]
        ddst = jnp.sum(deg_ref[NW : 2 * NW, 0:N], axis=0)[:, None]
        ns = jnp.where(dsrc > 0, lax.rsqrt(jnp.maximum(dsrc, 1.0)), 0.0)
        nd = jnp.where(ddst > 0, lax.rsqrt(jnp.maximum(ddst, 1.0)), 0.0)
        ns_ref[...] = ns
        nd_ref[...] = nd
        y_ref[0:N, :] = x_ref[...] * ns
        y_ref[N:NPAD, :] = jnp.zeros((NPAD - N, D), jnp.float32)

    return pl.pallas_call(
        body,
        out_shape=[
            jax.ShapeDtypeStruct((NPAD, D), jnp.float32),
            jax.ShapeDtypeStruct((N, 1), jnp.float32),
            jax.ShapeDtypeStruct((N, 1), jnp.float32),
        ],
    )(x, degs)


def _tc_layer(x, p, nd, ns, W, b):

    def body(x_ref, p_ref, nd_ref, ns_ref, w_ref, b_ref, x1_ref, y2_ref):
        agg = (p_ref[0:N, :] + p_ref[NPAD : NPAD + N, :]) * nd_ref[...]
        x1 = (
            x_ref[...]
            + jnp.dot(agg, w_ref[...], preferred_element_type=jnp.float32)
            + b_ref[...]
        ) * SCALE
        x1_ref[...] = x1
        y2_ref[0:N, :] = x1 * ns_ref[...]
        y2_ref[N:NPAD, :] = jnp.zeros((NPAD - N, D), jnp.float32)

    return pl.pallas_call(
        body,
        out_shape=[
            jax.ShapeDtypeStruct((N, D), jnp.float32),
            jax.ShapeDtypeStruct((NPAD, D), jnp.float32),
        ],
    )(x, p, nd, ns, W, b)


def _tc_final(x1, q, nd, W, b, gamma, beta):
    def body(x1_ref, q_ref, nd_ref, w_ref, b_ref, g_ref, be_ref, o_ref):
        agg = (q_ref[0:N, :] + q_ref[NPAD : NPAD + N, :]) * nd_ref[...]
        x2 = (
            x1_ref[...]
            + jnp.dot(agg, w_ref[...], preferred_element_type=jnp.float32)
            + b_ref[...]
        ) * SCALE
        m = jnp.mean(x2, axis=0, keepdims=True)
        v = jnp.mean((x2 - m) ** 2, axis=0, keepdims=True)
        o_ref[...] = (x2 - m) * lax.rsqrt(v + 1e-5) * g_ref[...] + be_ref[...]

    return pl.pallas_call(
        body, out_shape=jax.ShapeDtypeStruct((N, D), jnp.float32)
    )(x1, q, nd, W, b, gamma, beta)


def kernel(inputs, edge_index, Wfc, bfc, W1, b1, W2, b2, gamma, beta):
    pad = jnp.full((EPAD - E,), N, dtype=jnp.int32)
    src2d = jnp.concatenate([edge_index[0], pad]).reshape(EPAD // CH, CH)
    dst2d = jnp.concatenate([edge_index[1], pad]).reshape(EPAD // CH, CH)

    degs = _deg_sc(src2d, dst2d)
    x = _tc_fc(inputs, Wfc, bfc)
    y1, ns, nd = _tc_norms(x, degs)
    p = _agg_sc(y1, src2d, dst2d)
    x1, y2 = _tc_layer(x, p, nd, ns, W1, b1)
    q = _agg_sc(y2, src2d, dst2d)
    return _tc_final(x1, q, nd, W2, b2, gamma, beta)

# --- scband reference (transcript-rebuilt; emitter-appended) ---
"""Pipeline reference for scband-network-representation-module-gcn-residual-57346403336483 (READ-ONLY COPY).

The authoritative reference and input builder live on the scoring server;
editing this copy changes nothing except your own understanding.
"""

import jax, jax.numpy as jnp
import numpy as np

N = 10000
E = 320000
D_IN = 128
D_H = 128


def setup_inputs(seed: int = 0) -> dict:
    key = jax.random.key(seed)
    ks = jax.random.split(key, 12)
    inputs = jax.random.normal(ks[0], (N, D_IN), dtype=jnp.float32)
    edge_index = jax.random.randint(ks[1], (2, E), 0, N, dtype=jnp.int32)
    s_in = 1.0 / np.sqrt(D_IN)
    s_h = 1.0 / np.sqrt(D_H)
    Wfc = jax.random.normal(ks[2], (D_IN, D_H), dtype=jnp.float32) * s_in
    bfc = jnp.zeros((D_H,), dtype=jnp.float32)
    W1 = jax.random.normal(ks[3], (D_H, D_H), dtype=jnp.float32) * s_h
    b1 = jnp.zeros((D_H,), dtype=jnp.float32)
    W2 = jax.random.normal(ks[4], (D_H, D_H), dtype=jnp.float32) * s_h
    b2 = jnp.zeros((D_H,), dtype=jnp.float32)
    gamma = jnp.ones((D_H,), dtype=jnp.float32)
    beta = jnp.zeros((D_H,), dtype=jnp.float32)
    return {"inputs": inputs, "edge_index": edge_index, "Wfc": Wfc, "bfc": bfc,
            "W1": W1, "b1": b1, "W2": W2, "b2": b2, "gamma": gamma, "beta": beta}


def _gcn_conv(x, edge_index, W, b):
    # DGL GraphConv with norm='both', activation=None:
    # out = D_dst^{-1/2} * A^T * (D_src^{-1/2} * x) * W + b
    src = edge_index[0]
    dst = edge_index[1]
    ones = jnp.ones(src.shape[0], dtype=x.dtype)
    out_deg = jax.ops.segment_sum(ones, src, num_segments=N)
    in_deg = jax.ops.segment_sum(ones, dst, num_segments=N)
    norm_src = jnp.where(out_deg > 0, 1.0 / jnp.sqrt(jnp.maximum(out_deg, 1.0)), 0.0)
    norm_dst = jnp.where(in_deg > 0, 1.0 / jnp.sqrt(jnp.maximum(in_deg, 1.0)), 0.0)
    h = x * norm_src[:, None]
    msg = jnp.take(h, src, axis=0)
    agg = jax.ops.segment_sum(msg, dst, num_segments=N)
    agg = agg * norm_dst[:, None]
    return agg @ W + b


def _batch_norm(x, gamma, beta, eps=1e-5):
    mean = jnp.mean(x, axis=0)
    var = jnp.var(x, axis=0)
    return (x - mean) / jnp.sqrt(var + eps) * gamma + beta


def reference(inputs, edge_index, Wfc, bfc, W1, b1, W2, b2, gamma, beta):
    scale = jnp.sqrt(jnp.asarray(0.5, dtype=jnp.float32))
    x = inputs @ Wfc + bfc
    h = _gcn_conv(x, edge_index, W1, b1)
    x = (x + h) * scale
    h = _gcn_conv(x, edge_index, W2, b2)
    x = (x + h) * scale
    return _batch_norm(x, gamma, beta)

if __name__ == "__main__":
    import jax
    _d = setup_inputs()
    print(jax.jit(kernel)(*tuple(_d.values())))

</pallas_src>

<mosaic_0001>
#map = affine_map<(d0, d1) -> (0, 0)>
module attributes {stable_mosaic.version = 14 : i64} {
  func.func @k(%arg0: i32, %arg1: i32, %arg2: memref<10240x128xf32, #tpu.memory_space<hbm>>, %arg3: memref<2560x128xi32, #tpu.memory_space<hbm>>, %arg4: memref<2560x128xi32, #tpu.memory_space<hbm>>, %arg5: memref<20480x128xf32, #tpu.memory_space<hbm>>, %arg6: memref<80x128xi32, #tpu.memory_space<vmem>>, %arg7: memref<80x128xi32, #tpu.memory_space<vmem>>, %arg8: memref<128x128xf32, #tpu.memory_space<vmem>>, %arg9: memref<10240x128xf32, #tpu.memory_space<vmem_shared>>, %arg10: memref<!tpu.dma_semaphore, #tpu.memory_space<semaphore_mem>>) attributes {dimension_semantics = [#tpu.dimension_semantics<core_parallel>, #tpu.dimension_semantics<subcore_parallel>], iteration_bounds = array<i64: 2, 16>, scalar_prefetch = 0 : i64, scratch_operands = 5 : i64, tpu.core_type = #tpu.core_type<sc_vector_subcore>, window_params = [{transform_indices = #map}, {transform_indices = #map}, {transform_indices = #map}, {transform_indices = #map}]} {
    %mul3A = arith.constant 16 : i32
    %mul3A_0 = arith.muli %arg0, %mul3A : i32
    %add3A = arith.addi %mul3A_0, %arg1 : i32
    %scan3A = arith.constant 0 : i32
    %scan3A_1 = arith.constant 128 : i32
    %scan3A_2 = arith.addi %scan3A, %scan3A_1 : i32
    %scan3A_3 = arith.constant 1 : i32
    scf.for %scan3A_27 = %scan3A to %scan3A_2 step %scan3A_3  : i32 {
      %mul3A_28 = arith.constant 1 : i32
      %mul3A_29 = arith.muli %scan3A_27, %mul3A_28 : i32
      %add3A_30 = arith.constant 0 : i32
      %add3A_31 = arith.addi %add3A_30, %mul3A_29 : i32
      %scan3A_32 = arith.constant 0 : i32
      %scan3A_33 = arith.constant 8 : i32
      %scan3A_34 = arith.addi %scan3A_32, %scan3A_33 : i32
      %scan3A_35 = arith.constant 1 : i32
      scf.for %scan3A_37 = %scan3A_32 to %scan3A_34 step %scan3A_35  : i32 {
        %mul3A_38 = arith.constant 1 : i32
        %mul3A_39 = arith.muli %scan3A_37, %mul3A_38 : i32
        %add3A_40 = arith.constant 0 : i32
        %add3A_41 = arith.addi %add3A_40, %mul3A_39 : i32
        %broadcast_in_dim3A = arith.constant 0.000000e+00 : f32
        %broadcast_in_dim3A_42 = vector.broadcast %broadcast_in_dim3A : f32 to vector<16xf32>
        %mul3A_43 = arith.constant 16 : i32
        %mul3A_44 = arith.muli %add3A_41, %mul3A_43 : i32
        %swap3A = arith.index_cast %add3A_31 : i32 to index
        %swap3A_45 = arith.index_cast %mul3A_44 : i32 to index
        %swap3A_46 = tpu.vector_load %arg8[%swap3A, %swap3A_45] {strides = array<i32>} : memref<128x128xf32, #tpu.memory_space<vmem>>, vector<1x16xf32>,
        %swap3A_47 = vector.shape_cast %swap3A_46 : vector<1x16xf32> to vector<16xf32>
        %swap3A_48 = vector.shape_cast %broadcast_in_dim3A_42 : vector<16xf32> to vector<1x16xf32>
        tpu.vector_store %arg8[%swap3A, %swap3A_45], %swap3A_48 {strides = array<i32>} : memref<128x128xf32, #tpu.memory_space<vmem>>, vector<1x16xf32>,
      }
      %scan3A_36 = arith.constant 8 : i32
    }
    %scan3A_4 = arith.constant 128 : i32
    %scan3A_5 = arith.constant 0 : i32
    %scan3A_6 = arith.constant 5 : i32
    %scan3A_7 = arith.addi %scan3A_5, %scan3A_6 : i32
    %scan3A_8 = arith.constant 1 : i32
    scf.for %scan3A_27 = %scan3A_5 to %scan3A_7 step %scan3A_8  : i32 {
      %mul3A_28 = arith.constant 1 : i32
      %mul3A_29 = arith.muli %scan3A_27, %mul3A_28 : i32
      %add3A_30 = arith.constant 0 : i32
      %add3A_31 = arith.addi %add3A_30, %mul3A_29 : i32
      %mul3A_32 = arith.constant 640 : i32
      %mul3A_33 = arith.muli %arg1, %mul3A_32 : i32
      %mul3A_34 = arith.constant 128 : i32
      %mul3A_35 = arith.muli %add3A_31, %mul3A_34 : i32
      %add3A_36 = arith.addi %mul3A_33, %mul3A_35 : i32
      "tpu.region"() ({
        %run_scoped3A = tpu.sem_alloc : memref<!tpu.dma_semaphore, #tpu.memory_space<semaphore_mem>>
        %dma_start3A = arith.constant 0 : i32
        %dma_start3A_37 = tpu.memref_slice %arg9[%add3A_36, %dma_start3A] : memref<10240x128xf32, #tpu.memory_space<vmem_shared>> -> memref<128x128xf32, #tpu.memory_space<vmem_shared>>
        %dma_start3A_38 = arith.constant 0 : i32
        %dma_start3A_39 = tpu.memref_slice %arg9[%add3A_36, %dma_start3A_38] : memref<10240x128xf32, #tpu.memory_space<vmem_shared>> -> memref<128x128xf32, #tpu.memory_space<vmem_shared>>
        tpu.enqueue_dma source(%arg8 : memref<128x128xf32, #tpu.memory_space<vmem>>) target(%dma_start3A_39 : memref<128x128xf32, #tpu.memory_space<vmem_shared>>) target_semaphore(%run_scoped3A : memref<!tpu.dma_semaphore, #tpu.memory_space<semaphore_mem>>)
        %dma_wait3A = arith.constant 0 : i32
        %dma_wait3A_40 = tpu.memref_slice %arg9[%add3A_36, %dma_wait3A] : memref<10240x128xf32, #tpu.memory_space<vmem_shared>> -> memref<128x128xf32, #tpu.memory_space<vmem_shared>>
        %dma_wait3A_41 = arith.constant 0 : i32
        %dma_wait3A_42 = tpu.memref_slice %arg9[%add3A_36, %dma_wait3A_41] : memref<10240x128xf32, #tpu.memory_space<vmem_shared>> -> memref<128x128xf32, #tpu.memory_space<vmem_shared>>
        tpu.wait_dma2 semaphore(%run_scoped3A : memref<!tpu.dma_semaphore, #tpu.memory_space<semaphore_mem>>) src(%arg8 : memref<128x128xf32, #tpu.memory_space<vmem>>) dst(%dma_wait3A_42 : memref<128x128xf32, #tpu.memory_space<vmem_shared>>)
        tpu.yield
      }) : () -> ()
    }
    %scan3A_9 = arith.constant 5 : i32
    %barrier3A = arith.constant 0 : index
    tpu.barrier barrier_id(%barrier3A)
    %mul3A_10 = arith.constant 80 : i32
    %mul3A_11 = arith.muli %add3A, %mul3A_10 : i32
    "tpu.region"() ({
      %run_scoped3A = tpu.sem_alloc : memref<!tpu.dma_semaphore, #tpu.memory_space<semaphore_mem>>
      %dma_start3A = arith.constant 0 : i32
      %dma_start3A_27 = tpu.memref_slice %arg3[%mul3A_11, %dma_start3A] : memref<2560x128xi32, #tpu.memory_space<hbm>> -> memref<80x128xi32, #tpu.memory_space<hbm>>
      %dma_start3A_28 = arith.constant 0 : i32
      %dma_start3A_29 = tpu.memref_slice %arg3[%mul3A_11, %dma_start3A_28] : memref<2560x128xi32, #tpu.memory_space<hbm>> -> memref<80x128xi32, #tpu.memory_space<hbm>>
      tpu.enqueue_dma source(%dma_start3A_29 : memref<80x128xi32, #tpu.memory_space<hbm>>) target(%arg6 : memref<80x128xi32, #tpu.memory_space<vmem>>) target_semaphore(%run_scoped3A : memref<!tpu.dma_semaphore, #tpu.memory_space<semaphore_mem>>)
      %dma_wait3A = arith.constant 0 : i32
      %dma_wait3A_30 = tpu.memref_slice %arg3[%mul3A_11, %dma_wait3A] : memref<2560x128xi32, #tpu.memory_space<hbm>> -> memref<80x128xi32, #tpu.memory_space<hbm>>
      %dma_wait3A_31 = arith.constant 0 : i32
      %dma_wait3A_32 = tpu.memref_slice %arg3[%mul3A_11, %dma_wait3A_31] : memref<2560x128xi32, #tpu.memory_space<hbm>> -> memref<80x128xi32, #tpu.memory_space<hbm>>
      tpu.wait_dma2 semaphore(%run_scoped3A : memref<!tpu.dma_semaphore, #tpu.memory_space<semaphore_mem>>) src(%dma_wait3A_32 : memref<80x128xi32, #tpu.memory_space<hbm>>) dst(%arg6 : memref<80x128xi32, #tpu.memory_space<vmem>>)
      tpu.yield
    }) : () -> ()
    %mul3A_12 = arith.constant 80 : i32
    %mul3A_13 = arith.muli %add3A, %mul3A_12 : i32
    "tpu.region"() ({
      %run_scoped3A = tpu.sem_alloc : memref<!tpu.dma_semaphore, #tpu.memory_space<semaphore_mem>>
      %dma_start3A = arith.constant 0 : i32
      %dma_start3A_27 = tpu.memref_slice %arg4[%mul3A_13, %dma_start3A] : memref<2560x128xi32, #tpu.memory_space<hbm>> -> memref<80x128xi32, #tpu.memory_space<hbm>>
      %dma_start3A_28 = arith.constant 0 : i32
      %dma_start3A_29 = tpu.memref_slice %arg4[%mul3A_13, %dma_start3A_28] : memref<2560x128xi32, #tpu.memory_space<hbm>> -> memref<80x128xi32, #tpu.memory_space<hbm>>
      tpu.enqueue_dma source(%dma_start3A_29 : memref<80x128xi32, #tpu.memory_space<hbm>>) target(%arg7 : memref<80x128xi32, #tpu.memory_space<vmem>>) target_semaphore(%run_scoped3A : memref<!tpu.dma_semaphore, #tpu.memory_space<semaphore_mem>>)
      %dma_wait3A = arith.constant 0 : i32
      %dma_wait3A_30 = tpu.memref_slice %arg4[%mul3A_13, %dma_wait3A] : memref<2560x128xi32, #tpu.memory_space<hbm>> -> memref<80x128xi32, #tpu.memory_space<hbm>>
      %dma_wait3A_31 = arith.constant 0 : i32
      %dma_wait3A_32 = tpu.memref_slice %arg4[%mul3A_13, %dma_wait3A_31] : memref<2560x128xi32, #tpu.memory_space<hbm>> -> memref<80x128xi32, #tpu.memory_space<hbm>>
      tpu.wait_dma2 semaphore(%run_scoped3A : memref<!tpu.dma_semaphore, #tpu.memory_space<semaphore_mem>>) src(%dma_wait3A_32 : memref<80x128xi32, #tpu.memory_space<hbm>>) dst(%arg7 : memref<80x128xi32, #tpu.memory_space<vmem>>)
      tpu.yield
    }) : () -> ()
    %scan3A_14 = arith.constant 0 : i32
    %scan3A_15 = arith.constant 80 : i32
    %scan3A_16 = arith.addi %scan3A_14, %scan3A_15 : i32
    %scan3A_17 = arith.constant 1 : i32
    scf.for %scan3A_27 = %scan3A_14 to %scan3A_16 step %scan3A_17  : i32 {
      %mul3A_28 = arith.constant 1 : i32
      %mul3A_29 = arith.muli %scan3A_27, %mul3A_28 : i32
      %add3A_30 = arith.constant 0 : i32
      %add3A_31 = arith.addi %add3A_30, %mul3A_29 : i32
      %dma_start3A = arith.constant 0 : i32
      %dma_start3A_32 = tpu.memref_slice %arg6[%add3A_31, %dma_start3A] : memref<80x128xi32, #tpu.memory_space<vmem>> -> memref<1x128xi32, #tpu.memory_space<vmem>>
      %dma_start3A_33 = tpu.memref_squeeze %dma_start3A_32 : memref<1x128xi32, #tpu.memory_space<vmem>> -> memref<128xi32, #tpu.memory_space<vmem>>
      %dma_start3A_34 = arith.constant 0 : i32
      %dma_start3A_35 = arith.constant 0 : i32
      %dma_start3A_36 = tpu.memref_slice %arg2[%dma_start3A_34, %dma_start3A_35] : memref<10240x128xf32, #tpu.memory_space<hbm>> -> memref<10240x128xf32, #tpu.memory_space<hbm>>
      tpu.enqueue_indirect_dma source(%dma_start3A_36 : memref<10240x128xf32, #tpu.memory_space<hbm>>) target(%arg8 : memref<128x128xf32, #tpu.memory_space<vmem>>) offsets(%dma_start3A_33 : memref<128xi32, #tpu.memory_space<vmem>>) semaphore(%arg10 : memref<!tpu.dma_semaphore, #tpu.memory_space<semaphore_mem>>)
      %dma_wait3A = arith.constant 0 : i32
      %dma_wait3A_37 = tpu.memref_slice %arg6[%add3A_31, %dma_wait3A] : memref<80x128xi32, #tpu.memory_space<vmem>> -> memref<1x128xi32, #tpu.memory_space<vmem>>
      %dma_wait3A_38 = tpu.memref_squeeze %dma_wait3A_37 : memref<1x128xi32, #tpu.memory_space<vmem>> -> memref<128xi32, #tpu.memory_space<vmem>>
      %dma_wait3A_39 = arith.constant 0 : i32
      %dma_wait3A_40 = arith.constant 0 : i32
      %dma_wait3A_41 = tpu.memref_slice %arg2[%dma_wait3A_39, %dma_wait3A_40] : memref<10240x128xf32, #tpu.memory_space<hbm>> -> memref<10240x128xf32, #tpu.memory_space<hbm>>
      tpu.wait_indirect_dma semaphore(%arg10 : memref<!tpu.dma_semaphore, #tpu.memory_space<semaphore_mem>>) src(%dma_wait3A_41 : memref<10240x128xf32, #tpu.memory_space<hbm>>) dst(%arg8 : memref<128x128xf32, #tpu.memory_space<vmem>>)
      "tpu.region"() ({
        %run_scoped3A = tpu.sem_alloc : memref<!tpu.dma_semaphore, #tpu.memory_space<semaphore_mem>>
        %dma_start3A_42 = arith.constant 0 : i32
        %dma_start3A_43 = tpu.memref_slice %arg7[%add3A_31, %dma_start3A_42] : memref<80x128xi32, #tpu.memory_space<vmem>> -> memref<1x128xi32, #tpu.memory_space<vmem>>
        %dma_start3A_44 = tpu.memref_squeeze %dma_start3A_43 : memref<1x128xi32, #tpu.memory_space<vmem>> -> memref<128xi32, #tpu.memory_space<vmem>>
        %dma_start3A_45 = arith.constant 0 : i32
        %dma_start3A_46 = arith.constant 0 : i32
        %dma_start3A_47 = tpu.memref_slice %arg9[%dma_start3A_45, %dma_start3A_46] : memref<10240x128xf32, #tpu.memory_space<vmem_shared>> -> memref<10240x128xf32, #tpu.memory_space<vmem_shared>>
        tpu.enqueue_indirect_dma source(%arg8 : memref<128x128xf32, #tpu.memory_space<vmem>>) target(%dma_start3A_47 : memref<10240x128xf32, #tpu.memory_space<vmem_shared>>) offsets(%dma_start3A_44 : memref<128xi32, #tpu.memory_space<vmem>>) semaphore(%run_scoped3A : memref<!tpu.dma_semaphore, #tpu.memory_space<semaphore_mem>>) {add = true}
        %dma_wait3A_48 = arith.constant 0 : i32
        %dma_wait3A_49 = tpu.memref_slice %arg7[%add3A_31, %dma_wait3A_48] : memref<80x128xi32, #tpu.memory_space<vmem>> -> memref<1x128xi32, #tpu.memory_space<vmem>>
        %dma_wait3A_50 = tpu.memref_squeeze %dma_wait3A_49 : memref<1x128xi32, #tpu.memory_space<vmem>> -> memref<128xi32, #tpu.memory_space<vmem>>
        %dma_wait3A_51 = arith.constant 0 : i32
        %dma_wait3A_52 = arith.constant 0 : i32
        %dma_wait3A_53 = tpu.memref_slice %arg9[%dma_wait3A_51, %dma_wait3A_52] : memref<10240x128xf32, #tpu.memory_space<vmem_shared>> -> memref<10240x128xf32, #tpu.memory_space<vmem_shared>>
        tpu.wait_indirect_dma semaphore(%run_scoped3A : memref<!tpu.dma_semaphore, #tpu.memory_space<semaphore_mem>>) src(%arg8 : memref<128x128xf32, #tpu.memory_space<vmem>>) dst(%dma_wait3A_53 : memref<10240x128xf32, #tpu.memory_space<vmem_shared>>)
        tpu.yield
      }) : () -> ()
    }
    %scan3A_18 = arith.constant 80 : i32
    %barrier3A_19 = arith.constant 0 : index
    tpu.barrier barrier_id(%barrier3A_19)
    %mul3A_20 = arith.constant 640 : i32
    %mul3A_21 = arith.muli %arg1, %mul3A_20 : i32
    %mul3A_22 = arith.constant 10240 : i32
    %mul3A_23 = arith.muli %arg0, %mul3A_22 : i32
    %mul3A_24 = arith.constant 640 : i32
    %mul3A_25 = arith.muli %arg1, %mul3A_24 : i32
    %add3A_26 = arith.addi %mul3A_23, %mul3A_25 : i32
    "tpu.region"() ({
      %run_scoped3A = tpu.sem_alloc : memref<!tpu.dma_semaphore, #tpu.memory_space<semaphore_mem>>
      %dma_start3A = arith.constant 0 : i32
      %dma_start3A_27 = tpu.memref_slice %arg5[%add3A_26, %dma_start3A] : memref<20480x128xf32, #tpu.memory_space<hbm>> -> memref<640x128xf32, #tpu.memory_space<hbm>>
      %dma_start3A_28 = arith.constant 0 : i32
      %dma_start3A_29 = tpu.memref_slice %arg9[%mul3A_21, %dma_start3A_28] : memref<10240x128xf32, #tpu.memory_space<vmem_shared>> -> memref<640x128xf32, #tpu.memory_space<vmem_shared>>
      tpu.enqueue_dma source(%dma_start3A_29 : memref<640x128xf32, #tpu.memory_space<vmem_shared>>) target(%dma_start3A_27 : memref<640x128xf32, #tpu.memory_space<hbm>>) target_semaphore(%run_scoped3A : memref<!tpu.dma_semaphore, #tpu.memory_space<semaphore_mem>>)
      %dma_wait3A = arith.constant 0 : i32
      %dma_wait3A_30 = tpu.memref_slice %arg5[%add3A_26, %dma_wait3A] : memref<20480x128xf32, #tpu.memory_space<hbm>> -> memref<640x128xf32, #tpu.memory_space<hbm>>
      %dma_wait3A_31 = arith.constant 0 : i32
      %dma_wait3A_32 = tpu.memref_slice %arg9[%mul3A_21, %dma_wait3A_31] : memref<10240x128xf32, #tpu.memory_space<vmem_shared>> -> memref<640x128xf32, #tpu.memory_space<vmem_shared>>
      tpu.wait_dma2 semaphore(%run_scoped3A : memref<!tpu.dma_semaphore, #tpu.memory_space<semaphore_mem>>) src(%dma_wait3A_32 : memref<640x128xf32, #tpu.memory_space<vmem_shared>>) dst(%dma_wait3A_30 : memref<640x128xf32, #tpu.memory_space<hbm>>)
      tpu.yield
    }) : () -> ()
    return
  }
}

#map = affine_map<(d0, d1) -> (0, 0)>
module attributes {stable_mosaic.version = 14 : i64} {
  func.func @k(%arg0: i32, %arg1: i32, %arg2: memref<2560x128xi32, #tpu.memory_space<hbm>>, %arg3: memref<2560x128xi32, #tpu.memory_space<hbm>>, %arg4: memref<64x10240xf32, #tpu.memory_space<hbm>>, %arg5: memref<80x128xi32, #tpu.memory_space<vmem>>, %arg6: memref<80x128xi32, #tpu.memory_space<vmem>>, %arg7: memref<10240xf32, #tpu.memory_space<vmem>>, %arg8: memref<10240xf32, #tpu.memory_space<vmem>>) attributes {dimension_semantics = [#tpu.dimension_semantics<core_parallel>, #tpu.dimension_semantics<subcore_parallel>], iteration_bounds = array<i64: 2, 16>, scalar_prefetch = 0 : i64, scratch_operands = 4 : i64, tpu.core_type = #tpu.core_type<sc_vector_subcore>, window_params = [{transform_indices = #map}, {transform_indices = #map}, {transform_indices = #map}]} {
    %mul3A = arith.constant 16 : i32
    %mul3A_0 = arith.muli %arg0, %mul3A : i32
    %add3A = arith.addi %mul3A_0, %arg1 : i32
    %broadcast_in_dim3A = arith.constant 0.000000e+00 : f32
    %broadcast_in_dim3A_1 = vector.broadcast %broadcast_in_dim3A : f32 to vector<16xf32>
    %broadcast_in_dim3A_2 = arith.constant 1.000000e+00 : f32
    %broadcast_in_dim3A_3 = vector.broadcast %broadcast_in_dim3A_2 : f32 to vector<16xf32>
    %scan3A = arith.constant 0 : i32
    %scan3A_4 = arith.constant 640 : i32
    %scan3A_5 = arith.addi %scan3A, %scan3A_4 : i32
    %scan3A_6 = arith.constant 1 : i32
    scf.for %scan3A_19 = %scan3A to %scan3A_5 step %scan3A_6  : i32 {
      %mul3A_20 = arith.constant 1 : i32
      %mul3A_21 = arith.muli %scan3A_19, %mul3A_20 : i32
      %add3A_22 = arith.constant 0 : i32
      %add3A_23 = arith.addi %add3A_22, %mul3A_21 : i32
      %mul3A_24 = arith.constant 16 : i32
      %mul3A_25 = arith.muli %add3A_23, %mul3A_24 : i32
      %swap3A = arith.index_cast %mul3A_25 : i32 to index
      %swap3A_26 = tpu.vector_load %arg7[%swap3A] {strides = array<i32>} : memref<10240xf32, #tpu.memory_space<vmem>>, vector<16xf32>,
      tpu.vector_store %arg7[%swap3A], %broadcast_in_dim3A_1 {strides = array<i32>} : memref<10240xf32, #tpu.memory_space<vmem>>, vector<16xf32>,
      %mul3A_27 = arith.constant 16 : i32
      %mul3A_28 = arith.muli %add3A_23, %mul3A_27 : i32
      %swap3A_29 = arith.index_cast %mul3A_28 : i32 to index
      %swap3A_30 = tpu.vector_load %arg8[%swap3A_29] {strides = array<i32>} : memref<10240xf32, #tpu.memory_space<vmem>>, vector<16xf32>,
      tpu.vector_store %arg8[%swap3A_29], %broadcast_in_dim3A_1 {strides = array<i32>} : memref<10240xf32, #tpu.memory_space<vmem>>, vector<16xf32>,
    }
    %scan3A_7 = arith.constant 640 : i32
    %mul3A_8 = arith.constant 80 : i32
    %mul3A_9 = arith.muli %add3A, %mul3A_8 : i32
    "tpu.region"() ({
      %run_scoped3A = tpu.sem_alloc : memref<!tpu.dma_semaphore, #tpu.memory_space<semaphore_mem>>
      %dma_start3A = arith.constant 0 : i32
      %dma_start3A_19 = tpu.memref_slice %arg2[%mul3A_9, %dma_start3A] : memref<2560x128xi32, #tpu.memory_space<hbm>> -> memref<80x128xi32, #tpu.memory_space<hbm>>
      %dma_start3A_20 = arith.constant 0 : i32
      %dma_start3A_21 = tpu.memref_slice %arg2[%mul3A_9, %dma_start3A_20] : memref<2560x128xi32, #tpu.memory_space<hbm>> -> memref<80x128xi32, #tpu.memory_space<hbm>>
      tpu.enqueue_dma source(%dma_start3A_21 : memref<80x128xi32, #tpu.memory_space<hbm>>) target(%arg5 : memref<80x128xi32, #tpu.memory_space<vmem>>) target_semaphore(%run_scoped3A : memref<!tpu.dma_semaphore, #tpu.memory_space<semaphore_mem>>)
      %dma_wait3A = arith.constant 0 : i32
      %dma_wait3A_22 = tpu.memref_slice %arg2[%mul3A_9, %dma_wait3A] : memref<2560x128xi32, #tpu.memory_space<hbm>> -> memref<80x128xi32, #tpu.memory_space<hbm>>
      %dma_wait3A_23 = arith.constant 0 : i32
      %dma_wait3A_24 = tpu.memref_slice %arg2[%mul3A_9, %dma_wait3A_23] : memref<2560x128xi32, #tpu.memory_space<hbm>> -> memref<80x128xi32, #tpu.memory_space<hbm>>
      tpu.wait_dma2 semaphore(%run_scoped3A : memref<!tpu.dma_semaphore, #tpu.memory_space<semaphore_mem>>) src(%dma_wait3A_24 : memref<80x128xi32, #tpu.memory_space<hbm>>) dst(%arg5 : memref<80x128xi32, #tpu.memory_space<vmem>>)
      tpu.yield
    }) : () -> ()
    %mul3A_10 = arith.constant 80 : i32
    %mul3A_11 = arith.muli %add3A, %mul3A_10 : i32
    "tpu.region"() ({
      %run_scoped3A = tpu.sem_alloc : memref<!tpu.dma_semaphore, #tpu.memory_space<semaphore_mem>>
      %dma_start3A = arith.constant 0 : i32
      %dma_start3A_19 = tpu.memref_slice %arg3[%mul3A_11, %dma_start3A] : memref<2560x128xi32, #tpu.memory_space<hbm>> -> memref<80x128xi32, #tpu.memory_space<hbm>>
      %dma_start3A_20 = arith.constant 0 : i32
      %dma_start3A_21 = tpu.memref_slice %arg3[%mul3A_11, %dma_start3A_20] : memref<2560x128xi32, #tpu.memory_space<hbm>> -> memref<80x128xi32, #tpu.memory_space<hbm>>
      tpu.enqueue_dma source(%dma_start3A_21 : memref<80x128xi32, #tpu.memory_space<hbm>>) target(%arg6 : memref<80x128xi32, #tpu.memory_space<vmem>>) target_semaphore(%run_scoped3A : memref<!tpu.dma_semaphore, #tpu.memory_space<semaphore_mem>>)
      %dma_wait3A = arith.constant 0 : i32
      %dma_wait3A_22 = tpu.memref_slice %arg3[%mul3A_11, %dma_wait3A] : memref<2560x128xi32, #tpu.memory_space<hbm>> -> memref<80x128xi32, #tpu.memory_space<hbm>>
      %dma_wait3A_23 = arith.constant 0 : i32
      %dma_wait3A_24 = tpu.memref_slice %arg3[%mul3A_11, %dma_wait3A_23] : memref<2560x128xi32, #tpu.memory_space<hbm>> -> memref<80x128xi32, #tpu.memory_space<hbm>>
      tpu.wait_dma2 semaphore(%run_scoped3A : memref<!tpu.dma_semaphore, #tpu.memory_space<semaphore_mem>>) src(%dma_wait3A_24 : memref<80x128xi32, #tpu.memory_space<hbm>>) dst(%arg6 : memref<80x128xi32, #tpu.memory_space<vmem>>)
      tpu.yield
    }) : () -> ()
    %scan3A_12 = arith.constant 0 : i32
    %scan3A_13 = arith.constant 80 : i32
    %scan3A_14 = arith.addi %scan3A_12, %scan3A_13 : i32
    %scan3A_15 = arith.constant 1 : i32
    scf.for %scan3A_19 = %scan3A_12 to %scan3A_14 step %scan3A_15  : i32 {
      %mul3A_20 = arith.constant 1 : i32
      %mul3A_21 = arith.muli %scan3A_19, %mul3A_20 : i32
      %add3A_22 = arith.constant 0 : i32
      %add3A_23 = arith.addi %add3A_22, %mul3A_21 : i32
      %scan3A_24 = arith.constant 0 : i32
      %scan3A_25 = arith.constant 8 : i32
      %scan3A_26 = arith.addi %scan3A_24, %scan3A_25 : i32
      %scan3A_27 = arith.constant 1 : i32
      scf.for %scan3A_29 = %scan3A_24 to %scan3A_26 step %scan3A_27  : i32 {
        %mul3A_30 = arith.constant 1 : i32
        %mul3A_31 = arith.muli %scan3A_29, %mul3A_30 : i32
        %add3A_32 = arith.constant 0 : i32
        %add3A_33 = arith.addi %add3A_32, %mul3A_31 : i32
        %mul3A_34 = arith.constant 16 : i32
        %mul3A_35 = arith.muli %add3A_33, %mul3A_34 : i32
        %get3A = arith.index_cast %add3A_23 : i32 to index
        %get3A_36 = arith.index_cast %mul3A_35 : i32 to index
        %get3A_37 = tpu.vector_load %arg5[%get3A, %get3A_36] {strides = array<i32>} : memref<80x128xi32, #tpu.memory_space<vmem>>, vector<16xi32>,
        %mul3A_38 = arith.constant 16 : i32
        %mul3A_39 = arith.muli %add3A_33, %mul3A_38 : i32
        %get3A_40 = arith.index_cast %add3A_23 : i32 to index
        %get3A_41 = arith.index_cast %mul3A_39 : i32 to index
        %get3A_42 = tpu.vector_load %arg6[%get3A_40, %get3A_41] {strides = array<i32>} : memref<80x128xi32, #tpu.memory_space<vmem>>, vector<16xi32>,
        tpu.vector_store_idx %arg7[%get3A_37], %broadcast_in_dim3A_3 {add = true} : memref<10240xf32, #tpu.memory_space<vmem>>[vector<16xi32>], vector<16xf32>,
        tpu.vector_store_idx %arg8[%get3A_42], %broadcast_in_dim3A_3 {add = true} : memref<10240xf32, #tpu.memory_space<vmem>>[vector<16xi32>], vector<16xf32>,
      }
      %scan3A_28 = arith.constant 8 : i32
    }
    %scan3A_16 = arith.constant 80 : i32
    "tpu.region"() ({
      %run_scoped3A = tpu.sem_alloc : memref<!tpu.dma_semaphore, #tpu.memory_space<semaphore_mem>>
      %dma_start3A = arith.constant 0 : i32
      %dma_start3A_19 = tpu.memref_slice %arg4[%add3A, %dma_start3A] : memref<64x10240xf32, #tpu.memory_space<hbm>> -> memref<1x10240xf32, #tpu.memory_space<hbm>>
      %dma_start3A_20 = tpu.memref_squeeze %dma_start3A_19 : memref<1x10240xf32, #tpu.memory_space<hbm>> -> memref<10240xf32, #tpu.memory_space<hbm>>
      %dma_start3A_21 = arith.constant 0 : i32
      %dma_start3A_22 = tpu.memref_slice %arg4[%add3A, %dma_start3A_21] : memref<64x10240xf32, #tpu.memory_space<hbm>> -> memref<1x10240xf32, #tpu.memory_space<hbm>>
      %dma_start3A_23 = tpu.memref_squeeze %dma_start3A_22 : memref<1x10240xf32, #tpu.memory_space<hbm>> -> memref<10240xf32, #tpu.memory_space<hbm>>
      tpu.enqueue_dma source(%arg7 : memref<10240xf32, #tpu.memory_space<vmem>>) target(%dma_start3A_23 : memref<10240xf32, #tpu.memory_space<hbm>>) target_semaphore(%run_scoped3A : memref<!tpu.dma_semaphore, #tpu.memory_space<semaphore_mem>>)
      %dma_wait3A = arith.constant 0 : i32
      %dma_wait3A_24 = tpu.memref_slice %arg4[%add3A, %dma_wait3A] : memref<64x10240xf32, #tpu.memory_space<hbm>> -> memref<1x10240xf32, #tpu.memory_space<hbm>>
      %dma_wait3A_25 = tpu.memref_squeeze %dma_wait3A_24 : memref<1x10240xf32, #tpu.memory_space<hbm>> -> memref<10240xf32, #tpu.memory_space<hbm>>
      %dma_wait3A_26 = arith.constant 0 : i32
      %dma_wait3A_27 = tpu.memref_slice %arg4[%add3A, %dma_wait3A_26] : memref<64x10240xf32, #tpu.memory_space<hbm>> -> memref<1x10240xf32, #tpu.memory_space<hbm>>
      %dma_wait3A_28 = tpu.memref_squeeze %dma_wait3A_27 : memref<1x10240xf32, #tpu.memory_space<hbm>> -> memref<10240xf32, #tpu.memory_space<hbm>>
      tpu.wait_dma2 semaphore(%run_scoped3A : memref<!tpu.dma_semaphore, #tpu.memory_space<semaphore_mem>>) src(%arg7 : memref<10240xf32, #tpu.memory_space<vmem>>) dst(%dma_wait3A_28 : memref<10240xf32, #tpu.memory_space<hbm>>)
      tpu.yield
    }) : () -> ()
    %add3A_17 = arith.constant 32 : i32
    %add3A_18 = arith.addi %add3A_17, %add3A : i32
    "tpu.region"() ({
      %run_scoped3A = tpu.sem_alloc : memref<!tpu.dma_semaphore, #tpu.memory_space<semaphore_mem>>
      %dma_start3A = arith.constant 0 : i32
      %dma_start3A_19 = tpu.memref_slice %arg4[%add3A_18, %dma_start3A] : memref<64x10240xf32, #tpu.memory_space<hbm>> -> memref<1x10240xf32, #tpu.memory_space<hbm>>
      %dma_start3A_20 = tpu.memref_squeeze %dma_start3A_19 : memref<1x10240xf32, #tpu.memory_space<hbm>> -> memref<10240xf32, #tpu.memory_space<hbm>>
      %dma_start3A_21 = arith.constant 0 : i32
      %dma_start3A_22 = tpu.memref_slice %arg4[%add3A_18, %dma_start3A_21] : memref<64x10240xf32, #tpu.memory_space<hbm>> -> memref<1x10240xf32, #tpu.memory_space<hbm>>
      %dma_start3A_23 = tpu.memref_squeeze %dma_start3A_22 : memref<1x10240xf32, #tpu.memory_space<hbm>> -> memref<10240xf32, #tpu.memory_space<hbm>>
      tpu.enqueue_dma source(%arg8 : memref<10240xf32, #tpu.memory_space<vmem>>) target(%dma_start3A_23 : memref<10240xf32, #tpu.memory_space<hbm>>) target_semaphore(%run_scoped3A : memref<!tpu.dma_semaphore, #tpu.memory_space<semaphore_mem>>)
      %dma_wait3A = arith.constant 0 : i32
      %dma_wait3A_24 = tpu.memref_slice %arg4[%add3A_18, %dma_wait3A] : memref<64x10240xf32, #tpu.memory_space<hbm>> -> memref<1x10240xf32, #tpu.memory_space<hbm>>
      %dma_wait3A_25 = tpu.memref_squeeze %dma_wait3A_24 : memref<1x10240xf32, #tpu.memory_space<hbm>> -> memref<10240xf32, #tpu.memory_space<hbm>>
      %dma_wait3A_26 = arith.constant 0 : i32
      %dma_wait3A_27 = tpu.memref_slice %arg4[%add3A_18, %dma_wait3A_26] : memref<64x10240xf32, #tpu.memory_space<hbm>> -> memref<1x10240xf32, #tpu.memory_space<hbm>>
      %dma_wait3A_28 = tpu.memref_squeeze %dma_wait3A_27 : memref<1x10240xf32, #tpu.memory_space<hbm>> -> memref<10240xf32, #tpu.memory_space<hbm>>
      tpu.wait_dma2 semaphore(%run_scoped3A : memref<!tpu.dma_semaphore, #tpu.memory_space<semaphore_mem>>) src(%arg8 : memref<10240xf32, #tpu.memory_space<vmem>>) dst(%dma_wait3A_28 : memref<10240xf32, #tpu.memory_space<hbm>>)
      tpu.yield
    }) : () -> ()
    return
  }
}

#map = affine_map<(d0, d1) -> (0, 0)>
module attributes {stable_mosaic.version = 14 : i64} {
  func.func @k(%arg0: i32, %arg1: i32, %arg2: memref<10240x128xf32, #tpu.memory_space<hbm>>, %arg3: memref<2560x128xi32, #tpu.memory_space<hbm>>, %arg4: memref<2560x128xi32, #tpu.memory_space<hbm>>, %arg5: memref<20480x128xf32, #tpu.memory_space<hbm>>, %arg6: memref<80x128xi32, #tpu.memory_space<vmem>>, %arg7: memref<80x128xi32, #tpu.memory_space<vmem>>, %arg8: memref<128x128xf32, #tpu.memory_space<vmem>>, %arg9: memref<10240x128xf32, #tpu.memory_space<vmem_shared>>, %arg10: memref<!tpu.dma_semaphore, #tpu.memory_space<semaphore_mem>>) attributes {dimension_semantics = [#tpu.dimension_semantics<core_parallel>, #tpu.dimension_semantics<subcore_parallel>], iteration_bounds = array<i64: 2, 16>, scalar_prefetch = 0 : i64, scratch_operands = 5 : i64, tpu.core_type = #tpu.core_type<sc_vector_subcore>, window_params = [{transform_indices = #map}, {transform_indices = #map}, {transform_indices = #map}, {transform_indices = #map}]} {
    %mul3A = arith.constant 16 : i32
    %mul3A_0 = arith.muli %arg0, %mul3A : i32
    %add3A = arith.addi %mul3A_0, %arg1 : i32
    %scan3A = arith.constant 0 : i32
    %scan3A_1 = arith.constant 128 : i32
    %scan3A_2 = arith.addi %scan3A, %scan3A_1 : i32
    %scan3A_3 = arith.constant 1 : i32
    scf.for %scan3A_27 = %scan3A to %scan3A_2 step %scan3A_3  : i32 {
      %mul3A_28 = arith.constant 1 : i32
      %mul3A_29 = arith.muli %scan3A_27, %mul3A_28 : i32
      %add3A_30 = arith.constant 0 : i32
      %add3A_31 = arith.addi %add3A_30, %mul3A_29 : i32
      %scan3A_32 = arith.constant 0 : i32
      %scan3A_33 = arith.constant 8 : i32
      %scan3A_34 = arith.addi %scan3A_32, %scan3A_33 : i32
      %scan3A_35 = arith.constant 1 : i32
      scf.for %scan3A_37 = %scan3A_32 to %scan3A_34 step %scan3A_35  : i32 {
        %mul3A_38 = arith.constant 1 : i32
        %mul3A_39 = arith.muli %scan3A_37, %mul3A_38 : i32
        %add3A_40 = arith.constant 0 : i32
        %add3A_41 = arith.addi %add3A_40, %mul3A_39 : i32
        %broadcast_in_dim3A = arith.constant 0.000000e+00 : f32
        %broadcast_in_dim3A_42 = vector.broadcast %broadcast_in_dim3A : f32 to vector<16xf32>
        %mul3A_43 = arith.constant 16 : i32
        %mul3A_44 = arith.muli %add3A_41, %mul3A_43 : i32
        %swap3A = arith.index_cast %add3A_31 : i32 to index
        %swap3A_45 = arith.index_cast %mul3A_44 : i32 to index
        %swap3A_46 = tpu.vector_load %arg8[%swap3A, %swap3A_45] {strides = array<i32>} : memref<128x128xf32, #tpu.memory_space<vmem>>, vector<1x16xf32>,
        %swap3A_47 = vector.shape_cast %swap3A_46 : vector<1x16xf32> to vector<16xf32>
        %swap3A_48 = vector.shape_cast %broadcast_in_dim3A_42 : vector<16xf32> to vector<1x16xf32>
        tpu.vector_store %arg8[%swap3A, %swap3A_45], %swap3A_48 {strides = array<i32>} : memref<128x128xf32, #tpu.memory_space<vmem>>, vector<1x16xf32>,
      }
      %scan3A_36 = arith.constant 8 : i32
    }
    %scan3A_4 = arith.constant 128 : i32
    %scan3A_5 = arith.constant 0 : i32
    %scan3A_6 = arith.constant 5 : i32
    %scan3A_7 = arith.addi %scan3A_5, %scan3A_6 : i32
    %scan3A_8 = arith.constant 1 : i32
    scf.for %scan3A_27 = %scan3A_5 to %scan3A_7 step %scan3A_8  : i32 {
      %mul3A_28 = arith.constant 1 : i32
      %mul3A_29 = arith.muli %scan3A_27, %mul3A_28 : i32
      %add3A_30 = arith.constant 0 : i32
      %add3A_31 = arith.addi %add3A_30, %mul3A_29 : i32
      %mul3A_32 = arith.constant 640 : i32
      %mul3A_33 = arith.muli %arg1, %mul3A_32 : i32
      %mul3A_34 = arith.constant 128 : i32
      %mul3A_35 = arith.muli %add3A_31, %mul3A_34 : i32
      %add3A_36 = arith.addi %mul3A_33, %mul3A_35 : i32
      "tpu.region"() ({
        %run_scoped3A = tpu.sem_alloc : memref<!tpu.dma_semaphore, #tpu.memory_space<semaphore_mem>>
        %dma_start3A = arith.constant 0 : i32
        %dma_start3A_37 = tpu.memref_slice %arg9[%add3A_36, %dma_start3A] : memref<10240x128xf32, #tpu.memory_space<vmem_shared>> -> memref<128x128xf32, #tpu.memory_space<vmem_shared>>
        %dma_start3A_38 = arith.constant 0 : i32
        %dma_start3A_39 = tpu.memref_slice %arg9[%add3A_36, %dma_start3A_38] : memref<10240x128xf32, #tpu.memory_space<vmem_shared>> -> memref<128x128xf32, #tpu.memory_space<vmem_shared>>
        tpu.enqueue_dma source(%arg8 : memref<128x128xf32, #tpu.memory_space<vmem>>) target(%dma_start3A_39 : memref<128x128xf32, #tpu.memory_space<vmem_shared>>) target_semaphore(%run_scoped3A : memref<!tpu.dma_semaphore, #tpu.memory_space<semaphore_mem>>)
        %dma_wait3A = arith.constant 0 : i32
        %dma_wait3A_40 = tpu.memref_slice %arg9[%add3A_36, %dma_wait3A] : memref<10240x128xf32, #tpu.memory_space<vmem_shared>> -> memref<128x128xf32, #tpu.memory_space<vmem_shared>>
        %dma_wait3A_41 = arith.constant 0 : i32
        %dma_wait3A_42 = tpu.memref_slice %arg9[%add3A_36, %dma_wait3A_41] : memref<10240x128xf32, #tpu.memory_space<vmem_shared>> -> memref<128x128xf32, #tpu.memory_space<vmem_shared>>
        tpu.wait_dma2 semaphore(%run_scoped3A : memref<!tpu.dma_semaphore, #tpu.memory_space<semaphore_mem>>) src(%arg8 : memref<128x128xf32, #tpu.memory_space<vmem>>) dst(%dma_wait3A_42 : memref<128x128xf32, #tpu.memory_space<vmem_shared>>)
        tpu.yield
      }) : () -> ()
    }
    %scan3A_9 = arith.constant 5 : i32
    %barrier3A = arith.constant 0 : index
    tpu.barrier barrier_id(%barrier3A)
    %mul3A_10 = arith.constant 80 : i32
    %mul3A_11 = arith.muli %add3A, %mul3A_10 : i32
    "tpu.region"() ({
      %run_scoped3A = tpu.sem_alloc : memref<!tpu.dma_semaphore, #tpu.memory_space<semaphore_mem>>
      %dma_start3A = arith.constant 0 : i32
      %dma_start3A_27 = tpu.memref_slice %arg3[%mul3A_11, %dma_start3A] : memref<2560x128xi32, #tpu.memory_space<hbm>> -> memref<80x128xi32, #tpu.memory_space<hbm>>
      %dma_start3A_28 = arith.constant 0 : i32
      %dma_start3A_29 = tpu.memref_slice %arg3[%mul3A_11, %dma_start3A_28] : memref<2560x128xi32, #tpu.memory_space<hbm>> -> memref<80x128xi32, #tpu.memory_space<hbm>>
      tpu.enqueue_dma source(%dma_start3A_29 : memref<80x128xi32, #tpu.memory_space<hbm>>) target(%arg6 : memref<80x128xi32, #tpu.memory_space<vmem>>) target_semaphore(%run_scoped3A : memref<!tpu.dma_semaphore, #tpu.memory_space<semaphore_mem>>)
      %dma_wait3A = arith.constant 0 : i32
      %dma_wait3A_30 = tpu.memref_slice %arg3[%mul3A_11, %dma_wait3A] : memref<2560x128xi32, #tpu.memory_space<hbm>> -> memref<80x128xi32, #tpu.memory_space<hbm>>
      %dma_wait3A_31 = arith.constant 0 : i32
      %dma_wait3A_32 = tpu.memref_slice %arg3[%mul3A_11, %dma_wait3A_31] : memref<2560x128xi32, #tpu.memory_space<hbm>> -> memref<80x128xi32, #tpu.memory_space<hbm>>
      tpu.wait_dma2 semaphore(%run_scoped3A : memref<!tpu.dma_semaphore, #tpu.memory_space<semaphore_mem>>) src(%dma_wait3A_32 : memref<80x128xi32, #tpu.memory_space<hbm>>) dst(%arg6 : memref<80x128xi32, #tpu.memory_space<vmem>>)
      tpu.yield
    }) : () -> ()
    %mul3A_12 = arith.constant 80 : i32
    %mul3A_13 = arith.muli %add3A, %mul3A_12 : i32
    "tpu.region"() ({
      %run_scoped3A = tpu.sem_alloc : memref<!tpu.dma_semaphore, #tpu.memory_space<semaphore_mem>>
      %dma_start3A = arith.constant 0 : i32
      %dma_start3A_27 = tpu.memref_slice %arg4[%mul3A_13, %dma_start3A] : memref<2560x128xi32, #tpu.memory_space<hbm>> -> memref<80x128xi32, #tpu.memory_space<hbm>>
      %dma_start3A_28 = arith.constant 0 : i32
      %dma_start3A_29 = tpu.memref_slice %arg4[%mul3A_13, %dma_start3A_28] : memref<2560x128xi32, #tpu.memory_space<hbm>> -> memref<80x128xi32, #tpu.memory_space<hbm>>
      tpu.enqueue_dma source(%dma_start3A_29 : memref<80x128xi32, #tpu.memory_space<hbm>>) target(%arg7 : memref<80x128xi32, #tpu.memory_space<vmem>>) target_semaphore(%run_scoped3A : memref<!tpu.dma_semaphore, #tpu.memory_space<semaphore_mem>>)
      %dma_wait3A = arith.constant 0 : i32
      %dma_wait3A_30 = tpu.memref_slice %arg4[%mul3A_13, %dma_wait3A] : memref<2560x128xi32, #tpu.memory_space<hbm>> -> memref<80x128xi32, #tpu.memory_space<hbm>>
      %dma_wait3A_31 = arith.constant 0 : i32
      %dma_wait3A_32 = tpu.memref_slice %arg4[%mul3A_13, %dma_wait3A_31] : memref<2560x128xi32, #tpu.memory_space<hbm>> -> memref<80x128xi32, #tpu.memory_space<hbm>>
      tpu.wait_dma2 semaphore(%run_scoped3A : memref<!tpu.dma_semaphore, #tpu.memory_space<semaphore_mem>>) src(%dma_wait3A_32 : memref<80x128xi32, #tpu.memory_space<hbm>>) dst(%arg7 : memref<80x128xi32, #tpu.memory_space<vmem>>)
      tpu.yield
    }) : () -> ()
    %scan3A_14 = arith.constant 0 : i32
    %scan3A_15 = arith.constant 80 : i32
    %scan3A_16 = arith.addi %scan3A_14, %scan3A_15 : i32
    %scan3A_17 = arith.constant 1 : i32
    scf.for %scan3A_27 = %scan3A_14 to %scan3A_16 step %scan3A_17  : i32 {
      %mul3A_28 = arith.constant 1 : i32
      %mul3A_29 = arith.muli %scan3A_27, %mul3A_28 : i32
      %add3A_30 = arith.constant 0 : i32
      %add3A_31 = arith.addi %add3A_30, %mul3A_29 : i32
      %dma_start3A = arith.constant 0 : i32
      %dma_start3A_32 = tpu.memref_slice %arg6[%add3A_31, %dma_start3A] : memref<80x128xi32, #tpu.memory_space<vmem>> -> memref<1x128xi32, #tpu.memory_space<vmem>>
      %dma_start3A_33 = tpu.memref_squeeze %dma_start3A_32 : memref<1x128xi32, #tpu.memory_space<vmem>> -> memref<128xi32, #tpu.memory_space<vmem>>
      %dma_start3A_34 = arith.constant 0 : i32
      %dma_start3A_35 = arith.constant 0 : i32
      %dma_start3A_36 = tpu.memref_slice %arg2[%dma_start3A_34, %dma_start3A_35] : memref<10240x128xf32, #tpu.memory_space<hbm>> -> memref<10240x128xf32, #tpu.memory_space<hbm>>
      tpu.enqueue_indirect_dma source(%dma_start3A_36 : memref<10240x128xf32, #tpu.memory_space<hbm>>) target(%arg8 : memref<128x128xf32, #tpu.memory_space<vmem>>) offsets(%dma_start3A_33 : memref<128xi32, #tpu.memory_space<vmem>>) semaphore(%arg10 : memref<!tpu.dma_semaphore, #tpu.memory_space<semaphore_mem>>)
      %dma_wait3A = arith.constant 0 : i32
      %dma_wait3A_37 = tpu.memref_slice %arg6[%add3A_31, %dma_wait3A] : memref<80x128xi32, #tpu.memory_space<vmem>> -> memref<1x128xi32, #tpu.memory_space<vmem>>
      %dma_wait3A_38 = tpu.memref_squeeze %dma_wait3A_37 : memref<1x128xi32, #tpu.memory_space<vmem>> -> memref<128xi32, #tpu.memory_space<vmem>>
      %dma_wait3A_39 = arith.constant 0 : i32
      %dma_wait3A_40 = arith.constant 0 : i32
      %dma_wait3A_41 = tpu.memref_slice %arg2[%dma_wait3A_39, %dma_wait3A_40] : memref<10240x128xf32, #tpu.memory_space<hbm>> -> memref<10240x128xf32, #tpu.memory_space<hbm>>
      tpu.wait_indirect_dma semaphore(%arg10 : memref<!tpu.dma_semaphore, #tpu.memory_space<semaphore_mem>>) src(%dma_wait3A_41 : memref<10240x128xf32, #tpu.memory_space<hbm>>) dst(%arg8 : memref<128x128xf32, #tpu.memory_space<vmem>>)
      "tpu.region"() ({
        %run_scoped3A = tpu.sem_alloc : memref<!tpu.dma_semaphore, #tpu.memory_space<semaphore_mem>>
        %dma_start3A_42 = arith.constant 0 : i32
        %dma_start3A_43 = tpu.memref_slice %arg7[%add3A_31, %dma_start3A_42] : memref<80x128xi32, #tpu.memory_space<vmem>> -> memref<1x128xi32, #tpu.memory_space<vmem>>
        %dma_start3A_44 = tpu.memref_squeeze %dma_start3A_43 : memref<1x128xi32, #tpu.memory_space<vmem>> -> memref<128xi32, #tpu.memory_space<vmem>>
        %dma_start3A_45 = arith.constant 0 : i32
        %dma_start3A_46 = arith.constant 0 : i32
        %dma_start3A_47 = tpu.memref_slice %arg9[%dma_start3A_45, %dma_start3A_46] : memref<10240x128xf32, #tpu.memory_space<vmem_shared>> -> memref<10240x128xf32, #tpu.memory_space<vmem_shared>>
        tpu.enqueue_indirect_dma source(%arg8 : memref<128x128xf32, #tpu.memory_space<vmem>>) target(%dma_start3A_47 : memref<10240x128xf32, #tpu.memory_space<vmem_shared>>) offsets(%dma_start3A_44 : memref<128xi32, #tpu.memory_space<vmem>>) semaphore(%run_scoped3A : memref<!tpu.dma_semaphore, #tpu.memory_space<semaphore_mem>>) {add = true}
        %dma_wait3A_48 = arith.constant 0 : i32
        %dma_wait3A_49 = tpu.memref_slice %arg7[%add3A_31, %dma_wait3A_48] : memref<80x128xi32, #tpu.memory_space<vmem>> -> memref<1x128xi32, #tpu.memory_space<vmem>>
        %dma_wait3A_50 = tpu.memref_squeeze %dma_wait3A_49 : memref<1x128xi32, #tpu.memory_space<vmem>> -> memref<128xi32, #tpu.memory_space<vmem>>
        %dma_wait3A_51 = arith.constant 0 : i32
        %dma_wait3A_52 = arith.constant 0 : i32
        %dma_wait3A_53 = tpu.memref_slice %arg9[%dma_wait3A_51, %dma_wait3A_52] : memref<10240x128xf32, #tpu.memory_space<vmem_shared>> -> memref<10240x128xf32, #tpu.memory_space<vmem_shared>>
        tpu.wait_indirect_dma semaphore(%run_scoped3A : memref<!tpu.dma_semaphore, #tpu.memory_space<semaphore_mem>>) src(%arg8 : memref<128x128xf32, #tpu.memory_space<vmem>>) dst(%dma_wait3A_53 : memref<10240x128xf32, #tpu.memory_space<vmem_shared>>)
        tpu.yield
      }) : () -> ()
    }
    %scan3A_18 = arith.constant 80 : i32
    %barrier3A_19 = arith.constant 0 : index
    tpu.barrier barrier_id(%barrier3A_19)
    %mul3A_20 = arith.constant 640 : i32
    %mul3A_21 = arith.muli %arg1, %mul3A_20 : i32
    %mul3A_22 = arith.constant 10240 : i32
    %mul3A_23 = arith.muli %arg0, %mul3A_22 : i32
    %mul3A_24 = arith.constant 640 : i32
    %mul3A_25 = arith.muli %arg1, %mul3A_24 : i32
    %add3A_26 = arith.addi %mul3A_23, %mul3A_25 : i32
    "tpu.region"() ({
      %run_scoped3A = tpu.sem_alloc : memref<!tpu.dma_semaphore, #tpu.memory_space<semaphore_mem>>
      %dma_start3A = arith.constant 0 : i32
      %dma_start3A_27 = tpu.memref_slice %arg5[%add3A_26, %dma_start3A] : memref<20480x128xf32, #tpu.memory_space<hbm>> -> memref<640x128xf32, #tpu.memory_space<hbm>>
      %dma_start3A_28 = arith.constant 0 : i32
      %dma_start3A_29 = tpu.memref_slice %arg9[%mul3A_21, %dma_start3A_28] : memref<10240x128xf32, #tpu.memory_space<vmem_shared>> -> memref<640x128xf32, #tpu.memory_space<vmem_shared>>
      tpu.enqueue_dma source(%dma_start3A_29 : memref<640x128xf32, #tpu.memory_space<vmem_shared>>) target(%dma_start3A_27 : memref<640x128xf32, #tpu.memory_space<hbm>>) target_semaphore(%run_scoped3A : memref<!tpu.dma_semaphore, #tpu.memory_space<semaphore_mem>>)
      %dma_wait3A = arith.constant 0 : i32
      %dma_wait3A_30 = tpu.memref_slice %arg5[%add3A_26, %dma_wait3A] : memref<20480x128xf32, #tpu.memory_space<hbm>> -> memref<640x128xf32, #tpu.memory_space<hbm>>
      %dma_wait3A_31 = arith.constant 0 : i32
      %dma_wait3A_32 = tpu.memref_slice %arg9[%mul3A_21, %dma_wait3A_31] : memref<10240x128xf32, #tpu.memory_space<vmem_shared>> -> memref<640x128xf32, #tpu.memory_space<vmem_shared>>
      tpu.wait_dma2 semaphore(%run_scoped3A : memref<!tpu.dma_semaphore, #tpu.memory_space<semaphore_mem>>) src(%dma_wait3A_32 : memref<640x128xf32, #tpu.memory_space<vmem_shared>>) dst(%dma_wait3A_30 : memref<640x128xf32, #tpu.memory_space<hbm>>)
      tpu.yield
    }) : () -> ()
    return
  }
}

module attributes {stable_mosaic.version = 14 : i64} {
  func.func @body(%arg0: memref<10000x128xf32, #tpu.memory_space<vmem>>, %arg1: memref<64x10240xf32, #tpu.memory_space<vmem>>, %arg2: memref<10240x128xf32, #tpu.memory_space<vmem>>, %arg3: memref<10000x1xf32, #tpu.memory_space<vmem>>, %arg4: memref<10000x1xf32, #tpu.memory_space<vmem>>) attributes {dimension_semantics = [], scalar_prefetch = 0 : i64, scratch_operands = 0 : i64, tpu.core_type = #tpu.core_type<tc>} {
    %get3A = arith.constant 0 : index
    %get3A_0 = arith.constant 0 : index
    %get3A_1 = vector.load %arg1[%get3A, %get3A_0] : memref<64x10240xf32, #tpu.memory_space<vmem>>, vector<32x10000xf32>
    %reduce_sum3A = arith.constant dense<0.000000e+00> : vector<10000xf32>
    %reduce_sum3A_2 = vector.multi_reduction <add>, %get3A_1, %reduce_sum3A [0] : vector<32x10000xf32> to vector<10000xf32>
    %broadcast_in_dim3A = vector.shape_cast %reduce_sum3A_2 : vector<10000xf32> to vector<10000x1xf32>
    %get3A_3 = arith.constant 32 : index
    %get3A_4 = arith.constant 0 : index
    %get3A_5 = vector.load %arg1[%get3A_3, %get3A_4] : memref<64x10240xf32, #tpu.memory_space<vmem>>, vector<32x10000xf32>
    %reduce_sum3A_6 = arith.constant dense<0.000000e+00> : vector<10000xf32>
    %reduce_sum3A_7 = vector.multi_reduction <add>, %get3A_5, %reduce_sum3A_6 [0] : vector<32x10000xf32> to vector<10000xf32>
    %broadcast_in_dim3A_8 = vector.shape_cast %reduce_sum3A_7 : vector<10000xf32> to vector<10000x1xf32>
    %gt3A = arith.constant 0.000000e+00 : f32
    %gt3A_9 = vector.broadcast %gt3A : f32 to vector<10000x1xf32>
    %gt3A_10 = arith.cmpf ogt, %broadcast_in_dim3A, %gt3A_9 : vector<10000x1xf32>
    %max3A = arith.constant 1.000000e+00 : f32
    %max3A_11 = vector.broadcast %max3A : f32 to vector<10000x1xf32>
    %max3A_12 = arith.maximumf %broadcast_in_dim3A, %max3A_11 : vector<10000x1xf32>
    %rsqrt3A = math.rsqrt %max3A_12 : vector<10000x1xf32>
    %jit3A = arith.constant 0.000000e+00 : f32
    %broadcast_in_dim3A_13 = vector.broadcast %jit3A : f32 to vector<10000x1xf32>
    %select_n3A = arith.select %gt3A_10, %rsqrt3A, %broadcast_in_dim3A_13 : vector<10000x1xi1>, vector<10000x1xf32>
    %gt3A_14 = arith.constant 0.000000e+00 : f32
    %gt3A_15 = vector.broadcast %gt3A_14 : f32 to vector<10000x1xf32>
    %gt3A_16 = arith.cmpf ogt, %broadcast_in_dim3A_8, %gt3A_15 : vector<10000x1xf32>
    %max3A_17 = arith.constant 1.000000e+00 : f32
    %max3A_18 = vector.broadcast %max3A_17 : f32 to vector<10000x1xf32>
    %max3A_19 = arith.maximumf %broadcast_in_dim3A_8, %max3A_18 : vector<10000x1xf32>
    %rsqrt3A_20 = math.rsqrt %max3A_19 : vector<10000x1xf32>
    %jit3A_21 = arith.constant 0.000000e+00 : f32
    %broadcast_in_dim3A_22 = vector.broadcast %jit3A_21 : f32 to vector<10000x1xf32>
    %select_n3A_23 = arith.select %gt3A_16, %rsqrt3A_20, %broadcast_in_dim3A_22 : vector<10000x1xi1>, vector<10000x1xf32>
    %swap3A = arith.constant 0 : index
    %swap3A_24 = arith.constant 0 : index
    %swap3A_25 = vector.load %arg3[%swap3A, %swap3A_24] : memref<10000x1xf32, #tpu.memory_space<vmem>>, vector<10000x1xf32>
    tpu.vector_store %arg3[%swap3A, %swap3A_24], %select_n3A {strides = array<i32>} : memref<10000x1xf32, #tpu.memory_space<vmem>>, vector<10000x1xf32>,
    %swap3A_26 = arith.constant 0 : index
    %swap3A_27 = arith.constant 0 : index
    %swap3A_28 = vector.load %arg4[%swap3A_26, %swap3A_27] : memref<10000x1xf32, #tpu.memory_space<vmem>>, vector<10000x1xf32>
    tpu.vector_store %arg4[%swap3A_26, %swap3A_27], %select_n3A_23 {strides = array<i32>} : memref<10000x1xf32, #tpu.memory_space<vmem>>, vector<10000x1xf32>,
    %get3A_29 = arith.constant 0 : index
    %get3A_30 = arith.constant 0 : index
    %get3A_31 = vector.load %arg0[%get3A_29, %get3A_30] : memref<10000x128xf32, #tpu.memory_space<vmem>>, vector<10000x128xf32>
    %mul3A = vector.broadcast %select_n3A : vector<10000x1xf32> to vector<10000x128xf32>
    %mul3A_32 = arith.mulf %get3A_31, %mul3A : vector<10000x128xf32>
    %swap3A_33 = arith.constant 0 : index
    %swap3A_34 = arith.constant 0 : index
    %swap3A_35 = vector.load %arg2[%swap3A_33, %swap3A_34] : memref<10240x128xf32, #tpu.memory_space<vmem>>, vector<10000x128xf32>
    tpu.vector_store %arg2[%swap3A_33, %swap3A_34], %mul3A_32 {strides = array<i32>} : memref<10240x128xf32, #tpu.memory_space<vmem>>, vector<10000x128xf32>,
    %broadcast_in_dim3A_36 = arith.constant 0.000000e+00 : f32
    %broadcast_in_dim3A_37 = vector.broadcast %broadcast_in_dim3A_36 : f32 to vector<240x128xf32>
    %swap3A_38 = arith.constant 10000 : index
    %swap3A_39 = arith.constant 0 : index
    %swap3A_40 = vector.load %arg2[%swap3A_38, %swap3A_39] : memref<10240x128xf32, #tpu.memory_space<vmem>>, vector<240x128xf32>
    tpu.vector_store %arg2[%swap3A_38, %swap3A_39], %broadcast_in_dim3A_37 {strides = array<i32>} : memref<10240x128xf32, #tpu.memory_space<vmem>>, vector<240x128xf32>,
    return
  }
}

module attributes {stable_mosaic.version = 14 : i64} {
  func.func @body(%arg0: memref<10000x128xf32, #tpu.memory_space<vmem>>, %arg1: memref<128x128xf32, #tpu.memory_space<vmem>>, %arg2: memref<128xf32, #tpu.memory_space<vmem>>, %arg3: memref<10000x128xf32, #tpu.memory_space<vmem>>) attributes {dimension_semantics = [], scalar_prefetch = 0 : i64, scratch_operands = 0 : i64, tpu.core_type = #tpu.core_type<tc>} {
    %get3A = arith.constant 0 : index
    %get3A_0 = arith.constant 0 : index
    %get3A_1 = vector.load %arg0[%get3A, %get3A_0] : memref<10000x128xf32, #tpu.memory_space<vmem>>, vector<10000x128xf32>
    %get3A_2 = arith.constant 0 : index
    %get3A_3 = arith.constant 0 : index
    %get3A_4 = vector.load %arg1[%get3A_2, %get3A_3] : memref<128x128xf32, #tpu.memory_space<vmem>>, vector<128x128xf32>
    %dot_general3A = arith.constant dense<0.000000e+00> : vector<10000x128xf32>
    %dot_general3A_5 = tpu.matmul %get3A_1, %get3A_4, %dot_general3A {dimension_numbers = #tpu.dot_dimension_numbers<[1], [0], [0], [1], [0, 0, 1, 1], [], []>, transpose_lhs_hint = false} : vector<10000x128xf32>, vector<128x128xf32>, vector<10000x128xf32> -> vector<10000x128xf32>
    %get3A_6 = arith.constant 0 : index
    %get3A_7 = vector.load %arg2[%get3A_6] : memref<128xf32, #tpu.memory_space<vmem>>, vector<128xf32>
    %broadcast_in_dim3A = vector.shape_cast %get3A_7 : vector<128xf32> to vector<1x128xf32>
    %add3A = vector.broadcast %broadcast_in_dim3A : vector<1x128xf32> to vector<10000x128xf32>
    %add3A_8 = arith.addf %dot_general3A_5, %add3A : vector<10000x128xf32>
    %swap3A = arith.constant 0 : index
    %swap3A_9 = arith.constant 0 : index
    %swap3A_10 = vector.load %arg3[%swap3A, %swap3A_9] : memref<10000x128xf32, #tpu.memory_space<vmem>>, vector<10000x128xf32>
    tpu.vector_store %arg3[%swap3A, %swap3A_9], %add3A_8 {strides = array<i32>} : memref<10000x128xf32, #tpu.memory_space<vmem>>, vector<10000x128xf32>,
    return
  }
}

module attributes {stable_mosaic.version = 14 : i64} {
  func.func @body(%arg0: memref<10000x128xf32, #tpu.memory_space<vmem>>, %arg1: memref<20480x128xf32, #tpu.memory_space<vmem>>, %arg2: memref<10000x1xf32, #tpu.memory_space<vmem>>, %arg3: memref<10000x1xf32, #tpu.memory_space<vmem>>, %arg4: memref<128x128xf32, #tpu.memory_space<vmem>>, %arg5: memref<128xf32, #tpu.memory_space<vmem>>, %arg6: memref<10000x128xf32, #tpu.memory_space<vmem>>, %arg7: memref<10240x128xf32, #tpu.memory_space<vmem>>) attributes {dimension_semantics = [], scalar_prefetch = 0 : i64, scratch_operands = 0 : i64, tpu.core_type = #tpu.core_type<tc>} {
    %get3A = arith.constant 0 : index
    %get3A_0 = arith.constant 0 : index
    %get3A_1 = vector.load %arg1[%get3A, %get3A_0] : memref<20480x128xf32, #tpu.memory_space<vmem>>, vector<10000x128xf32>
    %get3A_2 = arith.constant 10240 : index
    %get3A_3 = arith.constant 0 : index
    %get3A_4 = vector.load %arg1[%get3A_2, %get3A_3] : memref<20480x128xf32, #tpu.memory_space<vmem>>, vector<10000x128xf32>
    %add3A = arith.addf %get3A_1, %get3A_4 : vector<10000x128xf32>
    %get3A_5 = arith.constant 0 : index
    %get3A_6 = arith.constant 0 : index
    %get3A_7 = vector.load %arg2[%get3A_5, %get3A_6] : memref<10000x1xf32, #tpu.memory_space<vmem>>, vector<10000x1xf32>
    %mul3A = vector.broadcast %get3A_7 : vector<10000x1xf32> to vector<10000x128xf32>
    %mul3A_8 = arith.mulf %add3A, %mul3A : vector<10000x128xf32>
    %get3A_9 = arith.constant 0 : index
    %get3A_10 = arith.constant 0 : index
    %get3A_11 = vector.load %arg0[%get3A_9, %get3A_10] : memref<10000x128xf32, #tpu.memory_space<vmem>>, vector<10000x128xf32>
    %get3A_12 = arith.constant 0 : index
    %get3A_13 = arith.constant 0 : index
    %get3A_14 = vector.load %arg4[%get3A_12, %get3A_13] : memref<128x128xf32, #tpu.memory_space<vmem>>, vector<128x128xf32>
    %dot_general3A = arith.constant dense<0.000000e+00> : vector<10000x128xf32>
    %dot_general3A_15 = tpu.matmul %mul3A_8, %get3A_14, %dot_general3A {dimension_numbers = #tpu.dot_dimension_numbers<[1], [0], [0], [1], [0, 0, 1, 1], [], []>, transpose_lhs_hint = false} : vector<10000x128xf32>, vector<128x128xf32>, vector<10000x128xf32> -> vector<10000x128xf32>
    %add3A_16 = arith.addf %get3A_11, %dot_general3A_15 : vector<10000x128xf32>
    %get3A_17 = arith.constant 0 : index
    %get3A_18 = vector.load %arg5[%get3A_17] : memref<128xf32, #tpu.memory_space<vmem>>, vector<128xf32>
    %broadcast_in_dim3A = vector.shape_cast %get3A_18 : vector<128xf32> to vector<1x128xf32>
    %add3A_19 = vector.broadcast %broadcast_in_dim3A : vector<1x128xf32> to vector<10000x128xf32>
    %add3A_20 = arith.addf %add3A_16, %add3A_19 : vector<10000x128xf32>
    %mul3A_21 = arith.constant 0.707106769 : f32
    %mul3A_22 = vector.broadcast %mul3A_21 : f32 to vector<10000x128xf32>
    %mul3A_23 = arith.mulf %add3A_20, %mul3A_22 : vector<10000x128xf32>
    %swap3A = arith.constant 0 : index
    %swap3A_24 = arith.constant 0 : index
    %swap3A_25 = vector.load %arg6[%swap3A, %swap3A_24] : memref<10000x128xf32, #tpu.memory_space<vmem>>, vector<10000x128xf32>
    tpu.vector_store %arg6[%swap3A, %swap3A_24], %mul3A_23 {strides = array<i32>} : memref<10000x128xf32, #tpu.memory_space<vmem>>, vector<10000x128xf32>,
    %get3A_26 = arith.constant 0 : index
    %get3A_27 = arith.constant 0 : index
    %get3A_28 = vector.load %arg3[%get3A_26, %get3A_27] : memref<10000x1xf32, #tpu.memory_space<vmem>>, vector<10000x1xf32>
    %mul3A_29 = vector.broadcast %get3A_28 : vector<10000x1xf32> to vector<10000x128xf32>
    %mul3A_30 = arith.mulf %mul3A_23, %mul3A_29 : vector<10000x128xf32>
    %swap3A_31 = arith.constant 0 : index
    %swap3A_32 = arith.constant 0 : index
    %swap3A_33 = vector.load %arg7[%swap3A_31, %swap3A_32] : memref<10240x128xf32, #tpu.memory_space<vmem>>, vector<10000x128xf32>
    tpu.vector_store %arg7[%swap3A_31, %swap3A_32], %mul3A_30 {strides = array<i32>} : memref<10240x128xf32, #tpu.memory_space<vmem>>, vector<10000x128xf32>,
    %broadcast_in_dim3A_34 = arith.constant 0.000000e+00 : f32
    %broadcast_in_dim3A_35 = vector.broadcast %broadcast_in_dim3A_34 : f32 to vector<240x128xf32>
    %swap3A_36 = arith.constant 10000 : index
    %swap3A_37 = arith.constant 0 : index
    %swap3A_38 = vector.load %arg7[%swap3A_36, %swap3A_37] : memref<10240x128xf32, #tpu.memory_space<vmem>>, vector<240x128xf32>
    tpu.vector_store %arg7[%swap3A_36, %swap3A_37], %broadcast_in_dim3A_35 {strides = array<i32>} : memref<10240x128xf32, #tpu.memory_space<vmem>>, vector<240x128xf32>,
    return
  }
}

module attributes {stable_mosaic.version = 14 : i64} {
  func.func @body(%arg0: memref<10000x128xf32, #tpu.memory_space<vmem>>, %arg1: memref<20480x128xf32, #tpu.memory_space<vmem>>, %arg2: memref<10000x1xf32, #tpu.memory_space<vmem>>, %arg3: memref<128x128xf32, #tpu.memory_space<vmem>>, %arg4: memref<128xf32, #tpu.memory_space<vmem>>, %arg5: memref<128xf32, #tpu.memory_space<vmem>>, %arg6: memref<128xf32, #tpu.memory_space<vmem>>, %arg7: memref<10000x128xf32, #tpu.memory_space<vmem>>) attributes {dimension_semantics = [], scalar_prefetch = 0 : i64, scratch_operands = 0 : i64, tpu.core_type = #tpu.core_type<tc>} {
    %get3A = arith.constant 0 : index
    %get3A_0 = arith.constant 0 : index
    %get3A_1 = vector.load %arg1[%get3A, %get3A_0] : memref<20480x128xf32, #tpu.memory_space<vmem>>, vector<10000x128xf32>
    %get3A_2 = arith.constant 10240 : index
    %get3A_3 = arith.constant 0 : index
    %get3A_4 = vector.load %arg1[%get3A_2, %get3A_3] : memref<20480x128xf32, #tpu.memory_space<vmem>>, vector<10000x128xf32>
    %add3A = arith.addf %get3A_1, %get3A_4 : vector<10000x128xf32>
    %get3A_5 = arith.constant 0 : index
    %get3A_6 = arith.constant 0 : index
    %get3A_7 = vector.load %arg2[%get3A_5, %get3A_6] : memref<10000x1xf32, #tpu.memory_space<vmem>>, vector<10000x1xf32>
    %mul3A = vector.broadcast %get3A_7 : vector<10000x1xf32> to vector<10000x128xf32>
    %mul3A_8 = arith.mulf %add3A, %mul3A : vector<10000x128xf32>
    %get3A_9 = arith.constant 0 : index
    %get3A_10 = arith.constant 0 : index
    %get3A_11 = vector.load %arg0[%get3A_9, %get3A_10] : memref<10000x128xf32, #tpu.memory_space<vmem>>, vector<10000x128xf32>
    %get3A_12 = arith.constant 0 : index
    %get3A_13 = arith.constant 0 : index
    %get3A_14 = vector.load %arg3[%get3A_12, %get3A_13] : memref<128x128xf32, #tpu.memory_space<vmem>>, vector<128x128xf32>
    %dot_general3A = arith.constant dense<0.000000e+00> : vector<10000x128xf32>
    %dot_general3A_15 = tpu.matmul %mul3A_8, %get3A_14, %dot_general3A {dimension_numbers = #tpu.dot_dimension_numbers<[1], [0], [0], [1], [0, 0, 1, 1], [], []>, transpose_lhs_hint = false} : vector<10000x128xf32>, vector<128x128xf32>, vector<10000x128xf32> -> vector<10000x128xf32>
    %add3A_16 = arith.addf %get3A_11, %dot_general3A_15 : vector<10000x128xf32>
    %get3A_17 = arith.constant 0 : index
    %get3A_18 = vector.load %arg4[%get3A_17] : memref<128xf32, #tpu.memory_space<vmem>>, vector<128xf32>
    %broadcast_in_dim3A = vector.shape_cast %get3A_18 : vector<128xf32> to vector<1x128xf32>
    %add3A_19 = vector.broadcast %broadcast_in_dim3A : vector<1x128xf32> to vector<10000x128xf32>
    %add3A_20 = arith.addf %add3A_16, %add3A_19 : vector<10000x128xf32>
    %mul3A_21 = arith.constant 0.707106769 : f32
    %mul3A_22 = vector.broadcast %mul3A_21 : f32 to vector<10000x128xf32>
    %mul3A_23 = arith.mulf %add3A_20, %mul3A_22 : vector<10000x128xf32>
    %reduce_sum3A = arith.constant dense<0.000000e+00> : vector<128xf32>
    %reduce_sum3A_24 = vector.multi_reduction <add>, %mul3A_23, %reduce_sum3A [0] : vector<10000x128xf32> to vector<128xf32>
    %broadcast_in_dim3A_25 = vector.shape_cast %reduce_sum3A_24 : vector<128xf32> to vector<1x128xf32>
    %div3A = arith.constant 1.000000e+04 : f32
    %div3A_26 = vector.broadcast %div3A : f32 to vector<1x128xf32>
    %div3A_27 = arith.divf %broadcast_in_dim3A_25, %div3A_26 : vector<1x128xf32>
    %sub3A = vector.broadcast %div3A_27 : vector<1x128xf32> to vector<10000x128xf32>
    %sub3A_28 = arith.subf %mul3A_23, %sub3A : vector<10000x128xf32>
    %integer_pow3A = arith.mulf %sub3A_28, %sub3A_28 : vector<10000x128xf32>
    %reduce_sum3A_29 = arith.constant dense<0.000000e+00> : vector<128xf32>
    %reduce_sum3A_30 = vector.multi_reduction <add>, %integer_pow3A, %reduce_sum3A_29 [0] : vector<10000x128xf32> to vector<128xf32>
    %broadcast_in_dim3A_31 = vector.shape_cast %reduce_sum3A_30 : vector<128xf32> to vector<1x128xf32>
    %div3A_32 = arith.constant 1.000000e+04 : f32
    %div3A_33 = vector.broadcast %div3A_32 : f32 to vector<1x128xf32>
    %div3A_34 = arith.divf %broadcast_in_dim3A_31, %div3A_33 : vector<1x128xf32>
    %sub3A_35 = vector.broadcast %div3A_27 : vector<1x128xf32> to vector<10000x128xf32>
    %sub3A_36 = arith.subf %mul3A_23, %sub3A_35 : vector<10000x128xf32>
    %add3A_37 = arith.constant 9.99999974E-6 : f32
    %add3A_38 = vector.broadcast %add3A_37 : f32 to vector<1x128xf32>
    %add3A_39 = arith.addf %div3A_34, %add3A_38 : vector<1x128xf32>
    %rsqrt3A = math.rsqrt %add3A_39 : vector<1x128xf32>
    %mul3A_40 = vector.broadcast %rsqrt3A : vector<1x128xf32> to vector<10000x128xf32>
    %mul3A_41 = arith.mulf %sub3A_36, %mul3A_40 : vector<10000x128xf32>
    %get3A_42 = arith.constant 0 : index
    %get3A_43 = vector.load %arg5[%get3A_42] : memref<128xf32, #tpu.memory_space<vmem>>, vector<128xf32>
    %broadcast_in_dim3A_44 = vector.shape_cast %get3A_43 : vector<128xf32> to vector<1x128xf32>
    %mul3A_45 = vector.broadcast %broadcast_in_dim3A_44 : vector<1x128xf32> to vector<10000x128xf32>
    %mul3A_46 = arith.mulf %mul3A_41, %mul3A_45 : vector<10000x128xf32>
    %get3A_47 = arith.constant 0 : index
    %get3A_48 = vector.load %arg6[%get3A_47] : memref<128xf32, #tpu.memory_space<vmem>>, vector<128xf32>
    %broadcast_in_dim3A_49 = vector.shape_cast %get3A_48 : vector<128xf32> to vector<1x128xf32>
    %add3A_50 = vector.broadcast %broadcast_in_dim3A_49 : vector<1x128xf32> to vector<10000x128xf32>
    %add3A_51 = arith.addf %mul3A_46, %add3A_50 : vector<10000x128xf32>
    %swap3A = arith.constant 0 : index
    %swap3A_52 = arith.constant 0 : index
    %swap3A_53 = vector.load %arg7[%swap3A, %swap3A_52] : memref<10000x128xf32, #tpu.memory_space<vmem>>, vector<10000x128xf32>
    tpu.vector_store %arg7[%swap3A, %swap3A_52], %add3A_51 {strides = array<i32>} : memref<10000x128xf32, #tpu.memory_space<vmem>>, vector<10000x128xf32>,
    return
  }
}

</mosaic_0001>

<sc_bundles>
// kernel: kernel.12.cloned.1.call-start
scs
__scs_entry_jumppad:
0x0: {  	(pc) =	sbr.rel $0x88, $3  }
0x1: {  	(tag) =	ssettag $0x0;
	lr =	simm.s32 $0x1  }
0x2: {  	[smem:$0x3F97] =	sst lr;
	_ =	strace $0xD0000000  }
0x3: {  	_ = 	snop  }
0x4: {  	_ = 	snop  }
0x5: {  	_ = 	snop  }
0x6: {  	_ = 	snop  }
0x7: {  	_ = 	snop  }
__scs_overlays_trampoline_lowered:
0x8: {  	[smem:$0x3FA6] =	sst s0  }
0x9: {  	[smem:$0x3FA7] =	sst s1  }
0xa: {  	[smem:$0x3FA8] =	sst s2  }
0xb: {  	[smem:$0x3FA9] =	sst s3  }
0xc: {  	[smem:$0x3FAA] =	sst s4  }
0xd: {  	[smem:$0x3FAB] =	sst s5  }
0xe: {  	[smem:$0x3FAC] =	sst s6  }
0xf: {  	[smem:$0x3FAD] =	sst s7  }
0x10: {  	[smem:$0x3FAE] =	sst s8  }
0x11: {  	[smem:$0x3FAF] =	sst s9;
	s0 =	simm.s32 @!p0 $0x0  }
0x12: {  	s1 =	sld [smem:$0x3F95];
	s0 =	simm.s32 @p0 $0x1  }
0x13: {  	[smem:$0x3FB0] =	sst s0;
	s0 =	simm.s32 @!p1 $0x0  }
0x14: {  	s2 =	sld [smem:$0x3F94];
	s0 =	simm.s32 @p1 $0x1  }
0x15: {  	[smem:$0x3FB1] =	sst s0;
	s0 =	simm.s32 @!p2 $0x0  }
0x16: {  	s3 =	sld [smem:$0x3FDB];
	s0 =	simm.s32 @p2 $0x1  }
0x17: {  	s4 =	simm.s32 $0x1BF5;
	[smem:$0x3FB3] =	sst s0  }
0x18: {  	s0 =	sld [smem:$0x3F96];
	_ =	swait.ge [sflag:s4], $0x0  }
0x19: {  	s7 =	sld [smem:$0x3F97]  }
0x1a: {  	s8 =	sadd.s32 $0xFFFFE003, lr  }
0x1b: {  	s9 =	sadd.s32 $0xFFFFFEF7, lr;
	s5 =	simm.s32 $0xFFFFFFFF;
	p2 =	slt.u32 s8, $0xFFFFF086  }
0x1c: {  	p1 =	slt.u32 s9, $0xF7A;
	s5 =	simm.s32 @!p2 $0x0  }
0x1d: {  	s5 =	simm.s32 @p1 $0x1;
	p0 =	seq.s32 s7, s2  }
0x1e: {  	s7 =	smul.u32 @!p0 $0xF7A, s2;
	p2 =	seq.s32 @!p0 s5, $0x0  }
0x1f: {  	s9 =	smul.u32 $0xF7A, s1;
	s8 =	simm.s32 @!p0 $0x1BF5;
	p2 =	por !p2, p0  }
0x20: {  	[sflag:s8] =	ssyncset.s32 @!p0 $0xFFFFF086;
	s6 =	sadd.s32 @!p0 s3, s7;
	s7 =	simm.s32 @!p0 $0x108  }
0x21: {  	s3 =	sadd.s32 s3, s9;
	s6 =	sadd.s32 @!p0 $0x88, s6;
	s7 =	simm.s32 @p2 $0x1082  }
0x22: {  	[simem:s7], [sflag:s8] =	dma.local @!p0 [hbm:s6], $0xF7A  }
0x23: {  	s9 =	sor.u32 $0xD0000000, s2;
	s6 =	simm.s32 $0x108;
	_ =	swait.ge @!p0 [sflag:s8], $0x0  }
0x24: {  	s3 =	sadd.s32 $0x88, s3;
	s6 =	simm.s32 @!p1 $0x1082;
	[sflag:s4] =	ssyncset.s32 $0xFFFFF086  }
0x25: {  	[simem:s6], [sflag:s4] =	dma.local [hbm:s3], $0xF7A  }
0x26: {  	[smem:$0x3F97] =	sst s1;
	(tag) =	ssettag s2;
	_ =	strace s9  }
0x27: {  	s1 =	sld [smem:$0x3FA7]  }
0x28: {  	s2 =	sld [smem:$0x3FA8]  }
0x29: {  	s4 =	sld [smem:$0x3FAA]  }
0x2a: {  	p0 =	seq.s32 s5, $0x0;
	s5 =	sld [smem:$0x3FAB]  }
0x2b: {  	s6 =	sld [smem:$0x3FAC]  }
0x2c: {  	s7 =	sld [smem:$0x3FAD]  }
0x2d: {  	s3 =	simm.s32 $0x108;
	s8 =	sld [smem:$0x3FAE]  }
0x2e: {  	s3 =	simm.s32 @!p0 $0x1082;
	s9 =	sld [smem:$0x3FAF]  }
0x2f: {  	lr =	sadd.s32 s0, s3;
	s0 =	sld [smem:$0x3FA6]  }
0x30: {  	s3 =	sld [smem:$0x3FA9]  }
0x31: {  	[smem:$0x3FB2] =	sst s10  }
0x32: {  	s10 =	sld [smem:$0x3FB0];
	_ =	sdelay $0x3  }
0x33: {  	p0 =	seq.s32 s10, $0x1;
	s10 =	sld [smem:$0x3FB2];
	_ =	sdelay $0x3  }
0x34: {  	[smem:$0x3FB2] =	sst s10  }
0x35: {  	s10 =	sld [smem:$0x3FB1];
	_ =	sdelay $0x3  }
0x36: {  	p1 =	seq.s32 s10, $0x1;
	s10 =	sld [smem:$0x3FB2];
	_ =	sdelay $0x3  }
0x37: {  	[smem:$0x3FB2] =	sst s10  }
0x38: {  	s10 =	sld [smem:$0x3FB3]  }
0x39: {  	_ = 	snop;
	(pc) =	sbr.ind lr, $3  }
0x3a: {  	_ = 	snop  }
0x3b: {  	_ = 	snop  }
0x3c: {  	p2 =	seq.s32 s10, $0x1;
	s10 =	sld [smem:$0x3FB2]  }
0x3d: {  	_ =	shalt  }
0x3e: {  	_ =	shalt  }
0x3f: {  	_ =	shalt  }
0x40: {  	_ =	shalt  }
0x41: {  	_ =	shalt  }
0x42: {  	_ =	shalt  }
0x43: {  	_ =	shalt  }
0x44: {  	_ =	shalt  }
0x45: {  	_ =	shalt  }
0x46: {  	_ =	shalt  }
0x47: {  	_ =	shalt  }
0x48: {  	_ =	shalt  }
0x49: {  	_ =	shalt  }
0x4a: {  	_ =	shalt  }
0x4b: {  	_ =	shalt  }
0x4c: {  	_ =	shalt  }
0x4d: {  	_ =	shalt  }
0x4e: {  	_ =	shalt  }
0x4f: {  	_ =	shalt  }
0x50: {  	_ =	shalt  }
0x51: {  	_ =	shalt  }
0x52: {  	_ =	shalt  }
0x53: {  	_ =	shalt  }
0x54: {  	_ =	shalt  }
0x55: {  	_ =	shalt  }
0x56: {  	_ =	shalt  }
0x57: {  	_ =	shalt  }
0x58: {  	_ =	shalt  }
0x59: {  	_ =	shalt  }
0x5a: {  	_ =	shalt  }
0x5b: {  	_ =	shalt  }
0x5c: {  	_ =	shalt  }
0x5d: {  	_ =	shalt  }
0x5e: {  	_ =	shalt  }
0x5f: {  	_ =	shalt  }
0x60: {  	_ =	shalt  }
0x61: {  	_ =	shalt  }
0x62: {  	_ =	shalt  }
0x63: {  	_ =	shalt  }
0x64: {  	_ =	shalt  }
0x65: {  	_ =	shalt  }
0x66: {  	_ =	shalt  }
0x67: {  	_ =	shalt  }
0x68: {  	_ =	shalt  }
0x69: {  	_ =	shalt  }
0x6a: {  	_ =	shalt  }
0x6b: {  	_ =	shalt  }
0x6c: {  	_ =	shalt  }
0x6d: {  	_ =	shalt  }
0x6e: {  	_ =	shalt  }
0x6f: {  	_ =	shalt  }
0x70: {  	_ =	shalt  }
0x71: {  	_ =	shalt  }
0x72: {  	_ =	shalt  }
0x73: {  	_ =	shalt  }
0x74: {  	_ =	shalt  }
0x75: {  	_ =	shalt  }
0x76: {  	_ =	shalt  }
0x77: {  	_ =	shalt  }
0x78: {  	_ =	shalt  }
0x79: {  	_ =	shalt  }
0x7a: {  	_ =	shalt  }
0x7b: {  	_ =	shalt  }
0x7c: {  	_ =	shalt  }
0x7d: {  	_ =	shalt  }
0x7e: {  	_ =	shalt  }
0x7f: {  	_ =	shalt  }
0x80: {  	_ =	shalt  }
0x81: {  	_ =	shalt  }
0x82: {  	_ =	shalt  }
0x83: {  	_ =	shalt  }
0x84: {  	_ =	shalt  }
0x85: {  	_ =	shalt  }
0x86: {  	_ =	shalt  }
0x87: {  	_ =	shalt  }
.Lfunc_end0:
.L_simem_size_0:
called_computation.1_lowered:
.L_overlay_start_0:
0x88: {  	s2 =	sld [smem:$0x3FD9]  }
0x89: {  	s3 =	sld [smem:$0x3FFE];
	_ =	sdelay $0x1  }
0x8a: {  	s1 =	srdreg.scid  }
0x8b: {  	s0 =	sand.u32 $0x1, s1  }
0x8c: {  	s16 =	sshll.u32 s0, $0xA;
	s2 =	sadd.s32 s3, s2  }
0x8d: {  	s2 =	sadd.s32 s2, s16  }
0x8e: {  	[smem:$0x3FBE] =	sst s2  }
0x8f: {  	_ = 	snop  }
0x90: {  	(tm) =	ssettm $0x1  }
0x91: {  	s17 =	sld [smem:$0x3FFB];
	_ =	sdelay $0x3  }
0x92: {  	_ =	strace s17  }
0x93: {  	s2 =	sld [smem:$0x3FFC];
	_ =	sdelay $0x3  }
0x94: {  	_ =	strace s2  }
0x95: {  	s2 =	sld [smem:$0x3FFD];
	_ =	sdelay $0x3  }
0x96: {  	_ =	strace s2  }
0x97: {  	_ =	strace $0x8FFFFFFF  }
0x98: {  	s18 =	sld [smem:$0x3FDB];
	_ =	sdelay $0x1  }
0x99: {  	s19 =	simm.s32 $_scs_section_size  }
0x9a: {  	s4 =	simm.s32 $_size__tile_overlayer_lowered;
	s5 =	simm.s32 $_tile_overlayer_lowered  }
0x9b: {  	s22 =	simm.s32 $0x1BFF;
	s21 =	sshll.u32 s5, $0x1;
	s2 =	sadd.s32 s19, s18  }
0x9c: {  	s6 =	simm.s32 $0x0;
	s20 =	sshll.u32 s4, $0x1;
	s4 =	sadd.s32 s21, s2  }
0x9d: {  	[timem:s6], [sflag:s22] =	dma.local [hbm:s4], s20  }
0x9e: {  	_ =	swait.ge [sflag:s22], s20  }
0x9f: {  	s3 =	ssub.s32 $0x0, s20;
	[sflag:s22] =	ssyncset.done $0x0  }
0xa0: {  	[sflag:s22] =	ssyncadd.s32 s3;
	_ =	sdelay $0x1  }
0xa1: {  	s23 =	simm.s32 $0x1B8B  }
0xa2: {  	_ =	swait.ge [sflag:s23], $0x1  }
0xa3: {  	[sflag:s23] =	ssyncset.done $0x0  }
0xa4: {  	s25 =	simm.s32 $0x1B8E;
	s24 =	sld [smem:$0x3FFE];
	[sflag:s23] =	ssyncadd.s32 $0xFFFFFFFF  }
0xa5: {  	s26 =	simm.s32 $execute0_lowered;
	[smem:$0x3FD2] =	sst s25  }
0xa6: {  	s4 =	sshll.u32 s26, $0x1;
	_ =	strace $0x80000049;
	[dreg:$0x1] =	wrdreg $0xFFFFFFFF  }
0xa7: {  	s28 =	simm.s32 $_size_execute0_lowered;
	s2 =	sadd.s32 s2, s4;
	[dreg:$0x0] =	wrdreg $0x0  }
0xa8: {  	s4 =	sshll.u32 s28, $0x1;
	[dreg:$0x2] =	wrdreg s2  }
0xa9: {  	[dreg:$0x3] =	wrdreg s4  }
0xaa: {  	[dreg:$0x4] =	wrdreg $0xC0  }
0xab: {  	_ =	task [dreg:s6], $0x5FFFF  }
0xac: {  	[dreg:$0x1] =	wrdreg $0xFFFFFFFF  }
0xad: {  	[dreg:$0x0] =	wrdreg $0x60  }
0xae: {  	[dreg:$0x2] =	wrdreg s24  }
0xaf: {  	[dreg:$0x3] =	wrdreg $0x90000  }
0xb0: {  	[dreg:$0x4] =	wrdreg $0x9  }
0xb1: {  	_ =	task.clear_ibuf [dreg:s6], $0x5FFFF;
	_ =	strace $0x90000049  }
0xb2: {  	s29 =	simm.s32 $0x9;
	_ =	strace $0x8000004B  }
0xb3: {  	_ =	swait.ge [sflag:s29], $0x1  }
0xb4: {  	[sflag:s29] =	ssyncadd.s32 $0xFFFFFFFF  }
0xb5: {  	_ =	strace $0x9000004B  }
0xb6: {  	_ =	sfence  }
0xb7: {  	s30 =	sld [smem:$0x0];
	_ =	sdelay $0x2  }
0xb8: {  	s31 =	sshll.u32 s1, $0xD;
	s1 =	sshrl.u32 s1, $0x2  }
0xb9: {  	s3 =	sand.u32 $0x4000, s31;
	s1 =	sadd.s32 s1, s30  }
0xba: {  	s0 =	sor.u32 s3, s0;
	s1 =	sshll.u32 s1, $0x11  }
0xbb: {  	s0 =	sor.u32 s1, s0  }
0xbc: {  	s0 =	sadd.s32 $0x8F2B, s0  }
0xbd: {  	[sflag:s0] =	ssyncadd.remote.s32 $0x1  }
0xbe: {  	_ =	sfence.sel $0xFFFF  }
0xbf: {  	[dreg:$0x0] =	wrdreg $0xFFFFFFFF;
	(pc) =	sbr.abs _section_cstart, $3  }
0xc0: {  	[dreg:$0x1] =	wrdreg $0xFFFFFFFF  }
0xc1: {  	_ =	task.clear_ibuf [dreg:s6], $0x2FFFF;
	_ =	strace $0x9FFFFFFF  }
0xc2: {  	(tm) =	ssettm $0x7FFFFFFF  }
0xc3: {  	_ =	shalt  }
tec
execute0_lowered:
.L_overlay_start_1:
0x0: {  	(tag) =	ssettag $0x1  }
0x1: {  	s6 =	rddreg [dreg:$0x0]  }
0x2: {  	s0 =	srdreg.scid;
	s2 =	rddreg [dreg:$0x1];
	s3 =	simm.s32 $0x0  }
0x3: {  	s14 =	simm.s32 $0x5000;
	s15 =	simm.s32 $0x2;
	s16 =	simm.s32 $0x2800  }
0x4: {  	s17 =	simm.s32 $0x80;
	s5 =	sand.u32 $0x1, s0;
	s0 =	stileid.u32  }
0x5: {  	s18 =	simm.s32 $0x1;
	[smem:$0x7FF] =	sst s3;
	s8 =	smul.u32 $0x28000, s5  }
0x6: {  	s4 =	sadd.s32 $0x16600, s6;
	s1 =	sshll.u32 s5, $0x4;
	s9 =	smul.u32 $0x2800, s0  }
0x7: {  	s10 =	smul.u32 $0x50000, s0;
	s5 =	ssub.s32 $0x2, s5;
	s19 =	sshll.u32 s0, $0x6  }
0x8: {  	s1 =	sor.u32 s0, s1;
	s29 =	sshrl.u32 s5, $0x1;
	s19 =	sor.u32 $0x1C02, s19  }
0x9: {  	s7 =	smul.u32 $0x500, s1;
	s1 =	rddreg [dreg:$0x2];
	_ =	strace $0x8000004A  }
0xa: {  	s8 =	sadd.s32 s9, s8;
	s30 =	sshrl.u32 s10, $0x2;
	s31 =	ssub.s32 s5, s29  }
0xb: {  	s8 =	sadd.s32 s8, s6;
	s5 =	sadd.s32 s30, s2;
	s9 =	smax.u32 s31, $0x1  }
0xc: {  	s7 =	sadd.s32 s7, s6;
	s8 =	sadd.s32 $0x3E600, s8;
	s10 =	sadd.s32 $0x4000, s5  }
0xd: {  	s11 =	sadd.s32 $0x8000, s5;
	s12 =	sadd.s32 $0xC000, s5;
	s13 =	sadd.s32 $0x10000, s5  }
0xe: {  	v0 =	vimm.f32 $0.0e+00;
	s20 =	sshrl.u32 s5, $0x3;
	s6 =	sadd.s32 $0xC600, s7;
	s7 =	sadd.s32 $0x2600, s7  }
.LBB2_1:
0xf: {  	s21 =	simm.s32 $0x0;
	s22 =	simm.s32 $0x200  }
.LBB2_2:
0x10: {  	p0 =	sne.s32 s22, $0xFE00;
	[tilespmem:s21+$0x5070] =	vst v0  }
0x11: {  	[tilespmem:s21+$0x5000] =	vst v0  }
0x12: {  	[tilespmem:s21+$0x5010] =	vst v0  }
.Ltmp0:
0x13: {  	[tilespmem:s21+$0x5020] =	vst v0;
	(pc) =	sbr.rel @p0 .LBB2_2-.Ltmp0, $4  }
0x14: {  	[tilespmem:s21+$0x5030] =	vst v0  }
0x15: {  	[tilespmem:s21+$0x5040] =	vst v0  }
0x16: {  	[tilespmem:s21+$0x5050] =	vst v0  }
0x17: {  	[tilespmem:s21+$0x5060] =	vst v0;
	s21 =	sshra.s32 s22, $0x2;
	s22 =	sadd.s32 $0x200, s22  }
0x18: {  	[tilespmem:s21+$0x5070] =	vst v0  }
0x19: {  	[tilespmem:s21+$0x5000] =	vst v0  }
0x1a: {  	[tilespmem:s21+$0x5010] =	vst v0  }
0x1b: {  	[tilespmem:s21+$0x5020] =	vst v0  }
0x1c: {  	[tilespmem:s21+$0x5030] =	vst v0  }
0x1d: {  	[tilespmem:s21+$0x5040] =	vst v0  }
0x1e: {  	[tilespmem:s21+$0x5050] =	vst v0  }
0x1f: {  	[tilespmem:s21+$0x5060] =	vst v0  }
0x20: {  	[spmem:s5] =	stream.linear.scatter [tilespmem:s14], [sflag:$0x2], $0x4000, $0x38;
	[tilespmem:$0x1D000] =	vst v63  }
0x21: {  	_ =	swait.ge [sflag:s15], $0x4000  }
0x22: {  	[sflag:s15] =	ssyncset.done $0x0  }
0x23: {  	[sflag:s15] =	ssyncadd.s32 $0xFFFFC000  }
0x24: {  	[spmem:s10] =	stream.linear.scatter [tilespmem:s14], [sflag:$0x2], $0x4000, $0x38;
	[tilespmem:$0x1D000] =	vst v63  }
0x25: {  	_ =	swait.ge [sflag:s15], $0x4000  }
0x26: {  	[sflag:s15] =	ssyncset.done $0x0  }
0x27: {  	[sflag:s15] =	ssyncadd.s32 $0xFFFFC000  }
0x28: {  	[spmem:s11] =	stream.linear.scatter [tilespmem:s14], [sflag:$0x2], $0x4000, $0x38;
	[tilespmem:$0x1D000] =	vst v63  }
0x29: {  	_ =	swait.ge [sflag:s15], $0x4000  }
0x2a: {  	[sflag:s15] =	ssyncset.done $0x0  }
0x2b: {  	[sflag:s15] =	ssyncadd.s32 $0xFFFFC000  }
0x2c: {  	[spmem:s12] =	stream.linear.scatter [tilespmem:s14], [sflag:$0x2], $0x4000, $0x38;
	[tilespmem:$0x1D000] =	vst v63  }
0x2d: {  	_ =	swait.ge [sflag:s15], $0x4000  }
0x2e: {  	[sflag:s15] =	ssyncset.done $0x0  }
0x2f: {  	[sflag:s15] =	ssyncadd.s32 $0xFFFFC000  }
0x30: {  	[spmem:s13] =	stream.linear.scatter [tilespmem:s14], [sflag:$0x2], $0x4000, $0x38;
	[tilespmem:$0x1D000] =	vst v63  }
0x31: {  	_ =	swait.ge [sflag:s15], $0x4000  }
0x32: {  	[sflag:s15] =	ssyncset.done $0x0  }
0x33: {  	[sflag:s15] =	ssyncadd.s32 $0xFFFFC000  }
0x34: {  	s29 =	simm.s32 $0x0;
	[bflag:$0x0] =	sbarrier.arrive $0xFFFF  }
0x35: {  	[tilespmem:s29], [sflag:$0x2] =	stream.linear.gather [hbm4b:s6+s29], $0x2800, $0x38;
	[tilespmem:$0x1D000] =	vst v63  }
0x36: {  	_ =	swait.ge [sflag:s15], $0x2800  }
0x37: {  	[sflag:s15] =	ssyncset.done $0x0  }
0x38: {  	[sflag:s15] =	ssyncadd.s32 $0xFFFFD800  }
0x39: {  	[tilespmem:s16], [sflag:$0x2] =	stream.linear.gather [hbm4b:s7+s29], $0x2800, $0x38;
	[tilespmem:$0x1D000] =	vst v63  }
0x3a: {  	_ =	swait.ge [sflag:s15], $0x2800  }
0x3b: {  	[sflag:s15] =	ssyncset.done $0x0  }
0x3c: {  	s30 =	simm.s32 $0x0;
	[sflag:s15] =	ssyncadd.s32 $0xFFFFD800  }
0x3d: {  	[tilespmem:s14], [sflag:$0x1] =	stream.indirect.gather [hbm4b:s4+s17], $0x80, s30, s17, $0xb8;
	[tilespmem:$0x1D000] =	vst v63  }
0x3e: {  	_ =	swait.ge [sflag:s18], $0x4000  }
0x3f: {  	[sflag:s18] =	ssyncset.done $0x0  }
0x40: {  	s31 =	simm.s32 $0x2800;
	[sflag:s18] =	ssyncadd.s32 $0xFFFFC000  }
0x41: {  	[spmem:s2] =	stream.indirect.scatter.add.f32 [tilespmem:s14], [sflag:$0x2], $0x80, s31, s17, $0xb8;
	[tilespmem:$0x1D000] =	vst v63  }
0x42: {  	_ =	swait.ge [sflag:s15], $0x4000  }
0x43: {  	s21 =	simm.s32 $0x200;
	s22 =	simm.s32 $0x400;
	[sflag:s15] =	ssyncset.done $0x0  }
.LBB2_4:
0x44: {  	s23 =	sshra.s32 s21, $0x2  }
0x45: {  	[sflag:s15] =	ssyncadd.s32 $0xFFFFC000;
	s21 =	smov.u32 s22;
	s24 =	sadd.s32 $0x200, s22  }
0x46: {  	[tilespmem:s14], [sflag:$0x1] =	stream.indirect.gather [hbm4b:s4+s17], $0x80, s23, s17, $0xb8;
	[tilespmem:$0x1D000] =	vst v63  }
0x47: {  	p0 =	sne.s32 s22, $0x9E00;
	_ =	swait.ge [sflag:s18], $0x4000  }
.Ltmp1:
0x48: {  	[sflag:s18] =	ssyncset.done $0x0;
	(pc) =	sbr.rel @p0 .LBB2_4-.Ltmp1, $4  }
0x49: {  	s22 =	sadd.s32 $0x2800, s23;
	[sflag:s18] =	ssyncadd.s32 $0xFFFFC000  }
0x4a: {  	[spmem:s2] =	stream.indirect.scatter.add.f32 [tilespmem:s14], [sflag:$0x2], $0x80, s22, s17, $0xb8;
	[tilespmem:$0x1D000] =	vst v63  }
0x4b: {  	_ =	swait.ge [sflag:s15], $0x4000  }
0x4c: {  	s22 =	smov.u32 s24;
	[sflag:s15] =	ssyncset.done $0x0  }
0x4d: {  	s21 =	sshra.s32 s21, $0x2;
	[sflag:s15] =	ssyncadd.s32 $0xFFFFC000  }
0x4e: {  	[tilespmem:s14], [sflag:$0x1] =	stream.indirect.gather [hbm4b:s4+s17], $0x80, s21, s17, $0xb8;
	[tilespmem:$0x1D000] =	vst v63  }
0x4f: {  	_ =	swait.ge [sflag:s18], $0x4000  }
0x50: {  	[sflag:s18] =	ssyncset.done $0x0  }
0x51: {  	s21 =	sadd.s32 $0x2800, s21;
	[sflag:s18] =	ssyncadd.s32 $0xFFFFC000  }
0x52: {  	[spmem:s2] =	stream.indirect.scatter.add.f32 [tilespmem:s14], [sflag:$0x2], $0x80, s21, s17, $0xb8;
	[tilespmem:$0x1D000] =	vst v63  }
0x53: {  	_ =	swait.ge [sflag:s15], $0x4000  }
0x54: {  	s3 =	sadd.s32 $0x1, s3;
	[sflag:s15] =	ssyncset.done $0x0  }
0x55: {  	p0 =	sne.s32 s3, s9;
	[sflag:s15] =	ssyncadd.s32 $0xFFFFC000  }
.Ltmp2:
0x56: {  	[bflag:$0x0] =	sbarrier.arrive $0xFFFF;
	(pc) =	sbr.rel @p0 .LBB2_1-.Ltmp2, $4  }
0x57: {  	[hbm:s8], [sflag:s19] =	dma.local [spmem:s20], $0x2800  }
0x58: {  	_ =	swait.ge [sflag:s15], $0x2800  }
0x59: {  	[sflag:s15] =	ssyncset.done $0x0  }
0x5a: {  	[sflag:s15] =	ssyncadd.s32 $0xFFFFD800  }
0x5b: {  	_ =	sfence.sel $0x180000  }
0x5c: {  	[bflag:$0x0] =	sbarrier.arrive $0xFFFF  }
0x5d: {  	p0 =	sne.s32 s0, $0x0;
	_ =	strace $0x9000004A  }
0x5e: {  	s0 =	sadd.s32 @!p0 $0x100000, s1;
	[bflag:$0x2] =	sbarrier.arrive $0xFFFF  }
0x5f: {  	[sflag:s0] =	ssyncadd.tile.s32 @!p0 $0x1;
	_ =	shalt  }
.Lfunc_end2:
_tile_overlayer_lowered:
.L_overlay_start_2:
0x60: {  	(tag) =	ssettag $0x2  }
0x61: {  	s0 =	rddreg [dreg:$0x0];
	s2 =	stileid.u32  }
0x62: {  	s1 =	rddreg [dreg:$0x1];
	p0 =	sne.s32 s2, $0x0  }
0x63: {  	s3 =	rddreg [dreg:$0x2];
	[bflag:$0x3] =	sbarrier.arrive $0xFFFF;
	s2 =	simm.s32 @!p0 $0x1C02  }
0x64: {  	[timem:s3], [sflag:s2] =	dma.local @!p0 [hbm:s0], s1  }
0x65: {  	s0 =	simm.s32 @!p0 $0x2  }
0x66: {  	_ =	swait.ge @!p0 [sflag:s0], s1  }
0x67: {  	s1 =	ssub.s32 @!p0 $0x0, s1;
	[sflag:s0] =	ssyncset.done @!p0 $0x0  }
0x68: {  	[sflag:s0] =	ssyncadd.s32 @!p0 s1  }
0x69: {  	[bflag:$0x3] =	sbarrier.arrive $0xFFFF  }
0x6a: {  	_ =	shalt  }

// kernel: kernel.15.cloned.1.call-start
scs
__scs_entry_jumppad:
0x0: {  	(pc) =	sbr.rel $0x88, $3  }
0x1: {  	(tag) =	ssettag $0x0;
	lr =	simm.s32 $0x1  }
0x2: {  	[smem:$0x3F97] =	sst lr;
	_ =	strace $0xD0000000  }
0x3: {  	_ = 	snop  }
0x4: {  	_ = 	snop  }
0x5: {  	_ = 	snop  }
0x6: {  	_ = 	snop  }
0x7: {  	_ = 	snop  }
__scs_overlays_trampoline_lowered:
0x8: {  	[smem:$0x3FA6] =	sst s0  }
0x9: {  	[smem:$0x3FA7] =	sst s1  }
0xa: {  	[smem:$0x3FA8] =	sst s2  }
0xb: {  	[smem:$0x3FA9] =	sst s3  }
0xc: {  	[smem:$0x3FAA] =	sst s4  }
0xd: {  	[smem:$0x3FAB] =	sst s5  }
0xe: {  	[smem:$0x3FAC] =	sst s6  }
0xf: {  	[smem:$0x3FAD] =	sst s7  }
0x10: {  	[smem:$0x3FAE] =	sst s8  }
0x11: {  	[smem:$0x3FAF] =	sst s9;
	s0 =	simm.s32 @!p0 $0x0  }
0x12: {  	s1 =	sld [smem:$0x3F95];
	s0 =	simm.s32 @p0 $0x1  }
0x13: {  	[smem:$0x3FB0] =	sst s0;
	s0 =	simm.s32 @!p1 $0x0  }
0x14: {  	s2 =	sld [smem:$0x3F94];
	s0 =	simm.s32 @p1 $0x1  }
0x15: {  	[smem:$0x3FB1] =	sst s0;
	s0 =	simm.s32 @!p2 $0x0  }
0x16: {  	s3 =	sld [smem:$0x3FDB];
	s0 =	simm.s32 @p2 $0x1  }
0x17: {  	s4 =	simm.s32 $0x1BF5;
	[smem:$0x3FB3] =	sst s0  }
0x18: {  	s0 =	sld [smem:$0x3F96];
	_ =	swait.ge [sflag:s4], $0x0  }
0x19: {  	s7 =	sld [smem:$0x3F97]  }
0x1a: {  	s8 =	sadd.s32 $0xFFFFE003, lr  }
0x1b: {  	s9 =	sadd.s32 $0xFFFFFEF7, lr;
	s5 =	simm.s32 $0xFFFFFFFF;
	p2 =	slt.u32 s8, $0xFFFFF086  }
0x1c: {  	p1 =	slt.u32 s9, $0xF7A;
	s5 =	simm.s32 @!p2 $0x0  }
0x1d: {  	s5 =	simm.s32 @p1 $0x1;
	p0 =	seq.s32 s7, s2  }
0x1e: {  	s7 =	smul.u32 @!p0 $0xF7A, s2;
	p2 =	seq.s32 @!p0 s5, $0x0  }
0x1f: {  	s9 =	smul.u32 $0xF7A, s1;
	s8 =	simm.s32 @!p0 $0x1BF5;
	p2 =	por !p2, p0  }
0x20: {  	[sflag:s8] =	ssyncset.s32 @!p0 $0xFFFFF086;
	s6 =	sadd.s32 @!p0 s3, s7;
	s7 =	simm.s32 @!p0 $0x108  }
0x21: {  	s3 =	sadd.s32 s3, s9;
	s6 =	sadd.s32 @!p0 $0x88, s6;
	s7 =	simm.s32 @p2 $0x1082  }
0x22: {  	[simem:s7], [sflag:s8] =	dma.local @!p0 [hbm:s6], $0xF7A  }
0x23: {  	s9 =	sor.u32 $0xD0000000, s2;
	s6 =	simm.s32 $0x108;
	_ =	swait.ge @!p0 [sflag:s8], $0x0  }
0x24: {  	s3 =	sadd.s32 $0x88, s3;
	s6 =	simm.s32 @!p1 $0x1082;
	[sflag:s4] =	ssyncset.s32 $0xFFFFF086  }
0x25: {  	[simem:s6], [sflag:s4] =	dma.local [hbm:s3], $0xF7A  }
0x26: {  	[smem:$0x3F97] =	sst s1;
	(tag) =	ssettag s2;
	_ =	strace s9  }
0x27: {  	s1 =	sld [smem:$0x3FA7]  }
0x28: {  	s2 =	sld [smem:$0x3FA8]  }
0x29: {  	s4 =	sld [smem:$0x3FAA]  }
0x2a: {  	p0 =	seq.s32 s5, $0x0;
	s5 =	sld [smem:$0x3FAB]  }
0x2b: {  	s6 =	sld [smem:$0x3FAC]  }
0x2c: {  	s7 =	sld [smem:$0x3FAD]  }
0x2d: {  	s3 =	simm.s32 $0x108;
	s8 =	sld [smem:$0x3FAE]  }
0x2e: {  	s3 =	simm.s32 @!p0 $0x1082;
	s9 =	sld [smem:$0x3FAF]  }
0x2f: {  	lr =	sadd.s32 s0, s3;
	s0 =	sld [smem:$0x3FA6]  }
0x30: {  	s3 =	sld [smem:$0x3FA9]  }
0x31: {  	[smem:$0x3FB2] =	sst s10  }
0x32: {  	s10 =	sld [smem:$0x3FB0];
	_ =	sdelay $0x3  }
0x33: {  	p0 =	seq.s32 s10, $0x1;
	s10 =	sld [smem:$0x3FB2];
	_ =	sdelay $0x3  }
0x34: {  	[smem:$0x3FB2] =	sst s10  }
0x35: {  	s10 =	sld [smem:$0x3FB1];
	_ =	sdelay $0x3  }
0x36: {  	p1 =	seq.s32 s10, $0x1;
	s10 =	sld [smem:$0x3FB2];
	_ =	sdelay $0x3  }
0x37: {  	[smem:$0x3FB2] =	sst s10  }
0x38: {  	s10 =	sld [smem:$0x3FB3]  }
0x39: {  	_ = 	snop;
	(pc) =	sbr.ind lr, $3  }
0x3a: {  	_ = 	snop  }
0x3b: {  	_ = 	snop  }
0x3c: {  	p2 =	seq.s32 s10, $0x1;
	s10 =	sld [smem:$0x3FB2]  }
0x3d: {  	_ =	shalt  }
0x3e: {  	_ =	shalt  }
0x3f: {  	_ =	shalt  }
0x40: {  	_ =	shalt  }
0x41: {  	_ =	shalt  }
0x42: {  	_ =	shalt  }
0x43: {  	_ =	shalt  }
0x44: {  	_ =	shalt  }
0x45: {  	_ =	shalt  }
0x46: {  	_ =	shalt  }
0x47: {  	_ =	shalt  }
0x48: {  	_ =	shalt  }
0x49: {  	_ =	shalt  }
0x4a: {  	_ =	shalt  }
0x4b: {  	_ =	shalt  }
0x4c: {  	_ =	shalt  }
0x4d: {  	_ =	shalt  }
0x4e: {  	_ =	shalt  }
0x4f: {  	_ =	shalt  }
0x50: {  	_ =	shalt  }
0x51: {  	_ =	shalt  }
0x52: {  	_ =	shalt  }
0x53: {  	_ =	shalt  }
0x54: {  	_ =	shalt  }
0x55: {  	_ =	shalt  }
0x56: {  	_ =	shalt  }
0x57: {  	_ =	shalt  }
0x58: {  	_ =	shalt  }
0x59: {  	_ =	shalt  }
0x5a: {  	_ =	shalt  }
0x5b: {  	_ =	shalt  }
0x5c: {  	_ =	shalt  }
0x5d: {  	_ =	shalt  }
0x5e: {  	_ =	shalt  }
0x5f: {  	_ =	shalt  }
0x60: {  	_ =	shalt  }
0x61: {  	_ =	shalt  }
0x62: {  	_ =	shalt  }
0x63: {  	_ =	shalt  }
0x64: {  	_ =	shalt  }
0x65: {  	_ =	shalt  }
0x66: {  	_ =	shalt  }
0x67: {  	_ =	shalt  }
0x68: {  	_ =	shalt  }
0x69: {  	_ =	shalt  }
0x6a: {  	_ =	shalt  }
0x6b: {  	_ =	shalt  }
0x6c: {  	_ =	shalt  }
0x6d: {  	_ =	shalt  }
0x6e: {  	_ =	shalt  }
0x6f: {  	_ =	shalt  }
0x70: {  	_ =	shalt  }
0x71: {  	_ =	shalt  }
0x72: {  	_ =	shalt  }
0x73: {  	_ =	shalt  }
0x74: {  	_ =	shalt  }
0x75: {  	_ =	shalt  }
0x76: {  	_ =	shalt  }
0x77: {  	_ =	shalt  }
0x78: {  	_ =	shalt  }
0x79: {  	_ =	shalt  }
0x7a: {  	_ =	shalt  }
0x7b: {  	_ =	shalt  }
0x7c: {  	_ =	shalt  }
0x7d: {  	_ =	shalt  }
0x7e: {  	_ =	shalt  }
0x7f: {  	_ =	shalt  }
0x80: {  	_ =	shalt  }
0x81: {  	_ =	shalt  }
0x82: {  	_ =	shalt  }
0x83: {  	_ =	shalt  }
0x84: {  	_ =	shalt  }
0x85: {  	_ =	shalt  }
0x86: {  	_ =	shalt  }
0x87: {  	_ =	shalt  }
.Lfunc_end0:
.L_simem_size_0:
called_computation.2_lowered:
.L_overlay_start_0:
0x88: {  	s2 =	sld [smem:$0x3FD9]  }
0x89: {  	s3 =	sld [smem:$0x3FFE];
	_ =	sdelay $0x1  }
0x8a: {  	s1 =	srdreg.scid  }
0x8b: {  	s0 =	sand.u32 $0x1, s1  }
0x8c: {  	s16 =	sshll.u32 s0, $0xA;
	s2 =	sadd.s32 s3, s2  }
0x8d: {  	s2 =	sadd.s32 s2, s16  }
0x8e: {  	[smem:$0x3FBE] =	sst s2  }
0x8f: {  	_ = 	snop  }
0x90: {  	(tm) =	ssettm $0x1  }
0x91: {  	s17 =	sld [smem:$0x3FFB];
	_ =	sdelay $0x3  }
0x92: {  	_ =	strace s17  }
0x93: {  	s2 =	sld [smem:$0x3FFC];
	_ =	sdelay $0x3  }
0x94: {  	_ =	strace s2  }
0x95: {  	s2 =	sld [smem:$0x3FFD];
	_ =	sdelay $0x3  }
0x96: {  	_ =	strace s2  }
0x97: {  	_ =	strace $0x8FFFFFFF  }
0x98: {  	s18 =	sld [smem:$0x3FDB];
	_ =	sdelay $0x1  }
0x99: {  	s19 =	simm.s32 $_scs_section_size  }
0x9a: {  	s4 =	simm.s32 $_size__tile_overlayer_lowered;
	s5 =	simm.s32 $_tile_overlayer_lowered  }
0x9b: {  	s22 =	simm.s32 $0x1BFF;
	s21 =	sshll.u32 s5, $0x1;
	s2 =	sadd.s32 s19, s18  }
0x9c: {  	s6 =	simm.s32 $0x0;
	s20 =	sshll.u32 s4, $0x1;
	s4 =	sadd.s32 s21, s2  }
0x9d: {  	[timem:s6], [sflag:s22] =	dma.local [hbm:s4], s20  }
0x9e: {  	_ =	swait.ge [sflag:s22], s20  }
0x9f: {  	s3 =	ssub.s32 $0x0, s20;
	[sflag:s22] =	ssyncset.done $0x0  }
0xa0: {  	[sflag:s22] =	ssyncadd.s32 s3;
	_ =	sdelay $0x1  }
0xa1: {  	s23 =	simm.s32 $0x1B8B  }
0xa2: {  	_ =	swait.ge [sflag:s23], $0x1  }
0xa3: {  	[sflag:s23] =	ssyncset.done $0x0  }
0xa4: {  	s25 =	simm.s32 $0x1B8E;
	s24 =	sld [smem:$0x3FFE];
	[sflag:s23] =	ssyncadd.s32 $0xFFFFFFFF  }
0xa5: {  	s26 =	simm.s32 $execute0_lowered;
	[smem:$0x3FD2] =	sst s25  }
0xa6: {  	s4 =	sshll.u32 s26, $0x1;
	_ =	strace $0x8000004C;
	[dreg:$0x1] =	wrdreg $0xFFFFFFFF  }
0xa7: {  	s28 =	simm.s32 $_size_execute0_lowered;
	s2 =	sadd.s32 s2, s4;
	[dreg:$0x0] =	wrdreg $0x0  }
0xa8: {  	s4 =	sshll.u32 s28, $0x1;
	[dreg:$0x2] =	wrdreg s2  }
0xa9: {  	[dreg:$0x3] =	wrdreg s4  }
0xaa: {  	[dreg:$0x4] =	wrdreg $0xC0  }
0xab: {  	_ =	task [dreg:s6], $0x5FFFF  }
0xac: {  	[dreg:$0x1] =	wrdreg $0xFFFFFFFF  }
0xad: {  	[dreg:$0x0] =	wrdreg $0x60  }
0xae: {  	[dreg:$0x2] =	wrdreg s24  }
0xaf: {  	[dreg:$0x3] =	wrdreg $0x90000  }
0xb0: {  	[dreg:$0x4] =	wrdreg $0x9  }
0xb1: {  	_ =	task.clear_ibuf [dreg:s6], $0x5FFFF;
	_ =	strace $0x9000004C  }
0xb2: {  	s29 =	simm.s32 $0x9;
	_ =	strace $0x8000004E  }
0xb3: {  	_ =	swait.ge [sflag:s29], $0x1  }
0xb4: {  	[sflag:s29] =	ssyncadd.s32 $0xFFFFFFFF  }
0xb5: {  	_ =	strace $0x9000004E  }
0xb6: {  	_ =	sfence  }
0xb7: {  	s30 =	sld [smem:$0x0];
	_ =	sdelay $0x2  }
0xb8: {  	s31 =	sshll.u32 s1, $0xD;
	s1 =	sshrl.u32 s1, $0x2  }
0xb9: {  	s3 =	sand.u32 $0x4000, s31;
	s1 =	sadd.s32 s1, s30  }
0xba: {  	s0 =	sor.u32 s3, s0;
	s1 =	sshll.u32 s1, $0x11  }
0xbb: {  	s0 =	sor.u32 s1, s0  }
0xbc: {  	s0 =	sadd.s32 $0x8F2B, s0  }
0xbd: {  	[sflag:s0] =	ssyncadd.remote.s32 $0x1  }
0xbe: {  	_ =	sfence.sel $0xFFFF  }
0xbf: {  	[dreg:$0x0] =	wrdreg $0xFFFFFFFF;
	(pc) =	sbr.abs _section_cstart, $3  }
0xc0: {  	[dreg:$0x1] =	wrdreg $0xFFFFFFFF  }
0xc1: {  	_ =	task.clear_ibuf [dreg:s6], $0x2FFFF;
	_ =	strace $0x9FFFFFFF  }
0xc2: {  	(tm) =	ssettm $0x7FFFFFFF  }
0xc3: {  	_ =	shalt  }
tec
execute0_lowered:
.L_overlay_start_1:
0x0: {  	(tag) =	ssettag $0x1  }
0x1: {  	s6 =	rddreg [dreg:$0x0]  }
0x2: {  	s0 =	srdreg.scid;
	s2 =	rddreg [dreg:$0x1];
	s3 =	simm.s32 $0x0  }
0x3: {  	s14 =	simm.s32 $0x5000;
	s15 =	simm.s32 $0x2;
	s16 =	simm.s32 $0x2800  }
0x4: {  	s17 =	simm.s32 $0x80;
	s5 =	sand.u32 $0x1, s0;
	s0 =	stileid.u32  }
0x5: {  	s18 =	simm.s32 $0x1;
	[smem:$0x7FF] =	sst s3;
	s8 =	smul.u32 $0x28000, s5  }
0x6: {  	s4 =	sadd.s32 $0x16600, s6;
	s1 =	sshll.u32 s5, $0x4;
	s9 =	smul.u32 $0x2800, s0  }
0x7: {  	s10 =	smul.u32 $0x50000, s0;
	s5 =	ssub.s32 $0x2, s5;
	s19 =	sshll.u32 s0, $0x6  }
0x8: {  	s1 =	sor.u32 s0, s1;
	s29 =	sshrl.u32 s5, $0x1;
	s19 =	sor.u32 $0x1C02, s19  }
0x9: {  	s7 =	smul.u32 $0x500, s1;
	s1 =	rddreg [dreg:$0x2];
	_ =	strace $0x8000004D  }
0xa: {  	s8 =	sadd.s32 s9, s8;
	s30 =	sshrl.u32 s10, $0x2;
	s31 =	ssub.s32 s5, s29  }
0xb: {  	s8 =	sadd.s32 s8, s6;
	s5 =	sadd.s32 s30, s2;
	s9 =	smax.u32 s31, $0x1  }
0xc: {  	s7 =	sadd.s32 s7, s6;
	s8 =	sadd.s32 $0x3E600, s8;
	s10 =	sadd.s32 $0x4000, s5  }
0xd: {  	s11 =	sadd.s32 $0x8000, s5;
	s12 =	sadd.s32 $0xC000, s5;
	s13 =	sadd.s32 $0x10000, s5  }
0xe: {  	v0 =	vimm.f32 $0.0e+00;
	s20 =	sshrl.u32 s5, $0x3;
	s6 =	sadd.s32 $0xC600, s7;
	s7 =	sadd.s32 $0x2600, s7  }
.LBB2_1:
0xf: {  	s21 =	simm.s32 $0x0;
	s22 =	simm.s32 $0x200  }
.LBB2_2:
0x10: {  	p0 =	sne.s32 s22, $0xFE00;
	[tilespmem:s21+$0x5070] =	vst v0  }
0x11: {  	[tilespmem:s21+$0x5000] =	vst v0  }
0x12: {  	[tilespmem:s21+$0x5010] =	vst v0  }
.Ltmp0:
0x13: {  	[tilespmem:s21+$0x5020] =	vst v0;
	(pc) =	sbr.rel @p0 .LBB2_2-.Ltmp0, $4  }
0x14: {  	[tilespmem:s21+$0x5030] =	vst v0  }
0x15: {  	[tilespmem:s21+$0x5040] =	vst v0  }
0x16: {  	[tilespmem:s21+$0x5050] =	vst v0  }
0x17: {  	[tilespmem:s21+$0x5060] =	vst v0;
	s21 =	sshra.s32 s22, $0x2;
	s22 =	sadd.s32 $0x200, s22  }
0x18: {  	[tilespmem:s21+$0x5070] =	vst v0  }
0x19: {  	[tilespmem:s21+$0x5000] =	vst v0  }
0x1a: {  	[tilespmem:s21+$0x5010] =	vst v0  }
0x1b: {  	[tilespmem:s21+$0x5020] =	vst v0  }
0x1c: {  	[tilespmem:s21+$0x5030] =	vst v0  }
0x1d: {  	[tilespmem:s21+$0x5040] =	vst v0  }
0x1e: {  	[tilespmem:s21+$0x5050] =	vst v0  }
0x1f: {  	[tilespmem:s21+$0x5060] =	vst v0  }
0x20: {  	[spmem:s5] =	stream.linear.scatter [tilespmem:s14], [sflag:$0x2], $0x4000, $0x38;
	[tilespmem:$0x1D000] =	vst v63  }
0x21: {  	_ =	swait.ge [sflag:s15], $0x4000  }
0x22: {  	[sflag:s15] =	ssyncset.done $0x0  }
0x23: {  	[sflag:s15] =	ssyncadd.s32 $0xFFFFC000  }
0x24: {  	[spmem:s10] =	stream.linear.scatter [tilespmem:s14], [sflag:$0x2], $0x4000, $0x38;
	[tilespmem:$0x1D000] =	vst v63  }
0x25: {  	_ =	swait.ge [sflag:s15], $0x4000  }
0x26: {  	[sflag:s15] =	ssyncset.done $0x0  }
0x27: {  	[sflag:s15] =	ssyncadd.s32 $0xFFFFC000  }
0x28: {  	[spmem:s11] =	stream.linear.scatter [tilespmem:s14], [sflag:$0x2], $0x4000, $0x38;
	[tilespmem:$0x1D000] =	vst v63  }
0x29: {  	_ =	swait.ge [sflag:s15], $0x4000  }
0x2a: {  	[sflag:s15] =	ssyncset.done $0x0  }
0x2b: {  	[sflag:s15] =	ssyncadd.s32 $0xFFFFC000  }
0x2c: {  	[spmem:s12] =	stream.linear.scatter [tilespmem:s14], [sflag:$0x2], $0x4000, $0x38;
	[tilespmem:$0x1D000] =	vst v63  }
0x2d: {  	_ =	swait.ge [sflag:s15], $0x4000  }
0x2e: {  	[sflag:s15] =	ssyncset.done $0x0  }
0x2f: {  	[sflag:s15] =	ssyncadd.s32 $0xFFFFC000  }
0x30: {  	[spmem:s13] =	stream.linear.scatter [tilespmem:s14], [sflag:$0x2], $0x4000, $0x38;
	[tilespmem:$0x1D000] =	vst v63  }
0x31: {  	_ =	swait.ge [sflag:s15], $0x4000  }
0x32: {  	[sflag:s15] =	ssyncset.done $0x0  }
0x33: {  	[sflag:s15] =	ssyncadd.s32 $0xFFFFC000  }
0x34: {  	s29 =	simm.s32 $0x0;
	[bflag:$0x0] =	sbarrier.arrive $0xFFFF  }
0x35: {  	[tilespmem:s29], [sflag:$0x2] =	stream.linear.gather [hbm4b:s6+s29], $0x2800, $0x38;
	[tilespmem:$0x1D000] =	vst v63  }
0x36: {  	_ =	swait.ge [sflag:s15], $0x2800  }
0x37: {  	[sflag:s15] =	ssyncset.done $0x0  }
0x38: {  	[sflag:s15] =	ssyncadd.s32 $0xFFFFD800  }
0x39: {  	[tilespmem:s16], [sflag:$0x2] =	stream.linear.gather [hbm4b:s7+s29], $0x2800, $0x38;
	[tilespmem:$0x1D000] =	vst v63  }
0x3a: {  	_ =	swait.ge [sflag:s15], $0x2800  }
0x3b: {  	[sflag:s15] =	ssyncset.done $0x0  }
0x3c: {  	s30 =	simm.s32 $0x0;
	[sflag:s15] =	ssyncadd.s32 $0xFFFFD800  }
0x3d: {  	[tilespmem:s14], [sflag:$0x1] =	stream.indirect.gather [hbm4b:s4+s17], $0x80, s30, s17, $0xb8;
	[tilespmem:$0x1D000] =	vst v63  }
0x3e: {  	_ =	swait.ge [sflag:s18], $0x4000  }
0x3f: {  	[sflag:s18] =	ssyncset.done $0x0  }
0x40: {  	s31 =	simm.s32 $0x2800;
	[sflag:s18] =	ssyncadd.s32 $0xFFFFC000  }
0x41: {  	[spmem:s2] =	stream.indirect.scatter.add.f32 [tilespmem:s14], [sflag:$0x2], $0x80, s31, s17, $0xb8;
	[tilespmem:$0x1D000] =	vst v63  }
0x42: {  	_ =	swait.ge [sflag:s15], $0x4000  }
0x43: {  	s21 =	simm.s32 $0x200;
	s22 =	simm.s32 $0x400;
	[sflag:s15] =	ssyncset.done $0x0  }
.LBB2_4:
0x44: {  	s23 =	sshra.s32 s21, $0x2  }
0x45: {  	[sflag:s15] =	ssyncadd.s32 $0xFFFFC000;
	s21 =	smov.u32 s22;
	s24 =	sadd.s32 $0x200, s22  }
0x46: {  	[tilespmem:s14], [sflag:$0x1] =	stream.indirect.gather [hbm4b:s4+s17], $0x80, s23, s17, $0xb8;
	[tilespmem:$0x1D000] =	vst v63  }
0x47: {  	p0 =	sne.s32 s22, $0x9E00;
	_ =	swait.ge [sflag:s18], $0x4000  }
.Ltmp1:
0x48: {  	[sflag:s18] =	ssyncset.done $0x0;
	(pc) =	sbr.rel @p0 .LBB2_4-.Ltmp1, $4  }
0x49: {  	s22 =	sadd.s32 $0x2800, s23;
	[sflag:s18] =	ssyncadd.s32 $0xFFFFC000  }
0x4a: {  	[spmem:s2] =	stream.indirect.scatter.add.f32 [tilespmem:s14], [sflag:$0x2], $0x80, s22, s17, $0xb8;
	[tilespmem:$0x1D000] =	vst v63  }
0x4b: {  	_ =	swait.ge [sflag:s15], $0x4000  }
0x4c: {  	s22 =	smov.u32 s24;
	[sflag:s15] =	ssyncset.done $0x0  }
0x4d: {  	s21 =	sshra.s32 s21, $0x2;
	[sflag:s15] =	ssyncadd.s32 $0xFFFFC000  }
0x4e: {  	[tilespmem:s14], [sflag:$0x1] =	stream.indirect.gather [hbm4b:s4+s17], $0x80, s21, s17, $0xb8;
	[tilespmem:$0x1D000] =	vst v63  }
0x4f: {  	_ =	swait.ge [sflag:s18], $0x4000  }
0x50: {  	[sflag:s18] =	ssyncset.done $0x0  }
0x51: {  	s21 =	sadd.s32 $0x2800, s21;
	[sflag:s18] =	ssyncadd.s32 $0xFFFFC000  }
0x52: {  	[spmem:s2] =	stream.indirect.scatter.add.f32 [tilespmem:s14], [sflag:$0x2], $0x80, s21, s17, $0xb8;
	[tilespmem:$0x1D000] =	vst v63  }
0x53: {  	_ =	swait.ge [sflag:s15], $0x4000  }
0x54: {  	s3 =	sadd.s32 $0x1, s3;
	[sflag:s15] =	ssyncset.done $0x0  }
0x55: {  	p0 =	sne.s32 s3, s9;
	[sflag:s15] =	ssyncadd.s32 $0xFFFFC000  }
.Ltmp2:
0x56: {  	[bflag:$0x0] =	sbarrier.arrive $0xFFFF;
	(pc) =	sbr.rel @p0 .LBB2_1-.Ltmp2, $4  }
0x57: {  	[hbm:s8], [sflag:s19] =	dma.local [spmem:s20], $0x2800  }
0x58: {  	_ =	swait.ge [sflag:s15], $0x2800  }
0x59: {  	[sflag:s15] =	ssyncset.done $0x0  }
0x5a: {  	[sflag:s15] =	ssyncadd.s32 $0xFFFFD800  }
0x5b: {  	_ =	sfence.sel $0x180000  }
0x5c: {  	[bflag:$0x0] =	sbarrier.arrive $0xFFFF  }
0x5d: {  	p0 =	sne.s32 s0, $0x0;
	_ =	strace $0x9000004D  }
0x5e: {  	s0 =	sadd.s32 @!p0 $0x100000, s1;
	[bflag:$0x2] =	sbarrier.arrive $0xFFFF  }
0x5f: {  	[sflag:s0] =	ssyncadd.tile.s32 @!p0 $0x1;
	_ =	shalt  }
.Lfunc_end2:
_tile_overlayer_lowered:
.L_overlay_start_2:
0x60: {  	(tag) =	ssettag $0x2  }
0x61: {  	s0 =	rddreg [dreg:$0x0];
	s2 =	stileid.u32  }
0x62: {  	s1 =	rddreg [dreg:$0x1];
	p0 =	sne.s32 s2, $0x0  }
0x63: {  	s3 =	rddreg [dreg:$0x2];
	[bflag:$0x3] =	sbarrier.arrive $0xFFFF;
	s2 =	simm.s32 @!p0 $0x1C02  }
0x64: {  	[timem:s3], [sflag:s2] =	dma.local @!p0 [hbm:s0], s1  }
0x65: {  	s0 =	simm.s32 @!p0 $0x2  }
0x66: {  	_ =	swait.ge @!p0 [sflag:s0], s1  }
0x67: {  	s1 =	ssub.s32 @!p0 $0x0, s1;
	[sflag:s0] =	ssyncset.done @!p0 $0x0  }
0x68: {  	[sflag:s0] =	ssyncadd.s32 @!p0 s1  }
0x69: {  	[bflag:$0x3] =	sbarrier.arrive $0xFFFF  }
0x6a: {  	_ =	shalt  }

// kernel: kernel.9.cloned.1.call-start
scs
__scs_entry_jumppad:
0x0: {  	(pc) =	sbr.rel $0x88, $3  }
0x1: {  	(tag) =	ssettag $0x0;
	lr =	simm.s32 $0x1  }
0x2: {  	[smem:$0x3F97] =	sst lr;
	_ =	strace $0xD0000000  }
0x3: {  	_ = 	snop  }
0x4: {  	_ = 	snop  }
0x5: {  	_ = 	snop  }
0x6: {  	_ = 	snop  }
0x7: {  	_ = 	snop  }
__scs_overlays_trampoline_lowered:
0x8: {  	[smem:$0x3FA6] =	sst s0  }
0x9: {  	[smem:$0x3FA7] =	sst s1  }
0xa: {  	[smem:$0x3FA8] =	sst s2  }
0xb: {  	[smem:$0x3FA9] =	sst s3  }
0xc: {  	[smem:$0x3FAA] =	sst s4  }
0xd: {  	[smem:$0x3FAB] =	sst s5  }
0xe: {  	[smem:$0x3FAC] =	sst s6  }
0xf: {  	[smem:$0x3FAD] =	sst s7  }
0x10: {  	[smem:$0x3FAE] =	sst s8  }
0x11: {  	[smem:$0x3FAF] =	sst s9;
	s0 =	simm.s32 @!p0 $0x0  }
0x12: {  	s1 =	sld [smem:$0x3F95];
	s0 =	simm.s32 @p0 $0x1  }
0x13: {  	[smem:$0x3FB0] =	sst s0;
	s0 =	simm.s32 @!p1 $0x0  }
0x14: {  	s2 =	sld [smem:$0x3F94];
	s0 =	simm.s32 @p1 $0x1  }
0x15: {  	[smem:$0x3FB1] =	sst s0;
	s0 =	simm.s32 @!p2 $0x0  }
0x16: {  	s3 =	sld [smem:$0x3FDB];
	s0 =	simm.s32 @p2 $0x1  }
0x17: {  	s4 =	simm.s32 $0x1BF5;
	[smem:$0x3FB3] =	sst s0  }
0x18: {  	s0 =	sld [smem:$0x3F96];
	_ =	swait.ge [sflag:s4], $0x0  }
0x19: {  	s7 =	sld [smem:$0x3F97]  }
0x1a: {  	s8 =	sadd.s32 $0xFFFFE003, lr  }
0x1b: {  	s9 =	sadd.s32 $0xFFFFFEF7, lr;
	s5 =	simm.s32 $0xFFFFFFFF;
	p2 =	slt.u32 s8, $0xFFFFF086  }
0x1c: {  	p1 =	slt.u32 s9, $0xF7A;
	s5 =	simm.s32 @!p2 $0x0  }
0x1d: {  	s5 =	simm.s32 @p1 $0x1;
	p0 =	seq.s32 s7, s2  }
0x1e: {  	s7 =	smul.u32 @!p0 $0xF7A, s2;
	p2 =	seq.s32 @!p0 s5, $0x0  }
0x1f: {  	s9 =	smul.u32 $0xF7A, s1;
	s8 =	simm.s32 @!p0 $0x1BF5;
	p2 =	por !p2, p0  }
0x20: {  	[sflag:s8] =	ssyncset.s32 @!p0 $0xFFFFF086;
	s6 =	sadd.s32 @!p0 s3, s7;
	s7 =	simm.s32 @!p0 $0x108  }
0x21: {  	s3 =	sadd.s32 s3, s9;
	s6 =	sadd.s32 @!p0 $0x88, s6;
	s7 =	simm.s32 @p2 $0x1082  }
0x22: {  	[simem:s7], [sflag:s8] =	dma.local @!p0 [hbm:s6], $0xF7A  }
0x23: {  	s9 =	sor.u32 $0xD0000000, s2;
	s6 =	simm.s32 $0x108;
	_ =	swait.ge @!p0 [sflag:s8], $0x0  }
0x24: {  	s3 =	sadd.s32 $0x88, s3;
	s6 =	simm.s32 @!p1 $0x1082;
	[sflag:s4] =	ssyncset.s32 $0xFFFFF086  }
0x25: {  	[simem:s6], [sflag:s4] =	dma.local [hbm:s3], $0xF7A  }
0x26: {  	[smem:$0x3F97] =	sst s1;
	(tag) =	ssettag s2;
	_ =	strace s9  }
0x27: {  	s1 =	sld [smem:$0x3FA7]  }
0x28: {  	s2 =	sld [smem:$0x3FA8]  }
0x29: {  	s4 =	sld [smem:$0x3FAA]  }
0x2a: {  	p0 =	seq.s32 s5, $0x0;
	s5 =	sld [smem:$0x3FAB]  }
0x2b: {  	s6 =	sld [smem:$0x3FAC]  }
0x2c: {  	s7 =	sld [smem:$0x3FAD]  }
0x2d: {  	s3 =	simm.s32 $0x108;
	s8 =	sld [smem:$0x3FAE]  }
0x2e: {  	s3 =	simm.s32 @!p0 $0x1082;
	s9 =	sld [smem:$0x3FAF]  }
0x2f: {  	lr =	sadd.s32 s0, s3;
	s0 =	sld [smem:$0x3FA6]  }
0x30: {  	s3 =	sld [smem:$0x3FA9]  }
0x31: {  	[smem:$0x3FB2] =	sst s10  }
0x32: {  	s10 =	sld [smem:$0x3FB0];
	_ =	sdelay $0x3  }
0x33: {  	p0 =	seq.s32 s10, $0x1;
	s10 =	sld [smem:$0x3FB2];
	_ =	sdelay $0x3  }
0x34: {  	[smem:$0x3FB2] =	sst s10  }
0x35: {  	s10 =	sld [smem:$0x3FB1];
	_ =	sdelay $0x3  }
0x36: {  	p1 =	seq.s32 s10, $0x1;
	s10 =	sld [smem:$0x3FB2];
	_ =	sdelay $0x3  }
0x37: {  	[smem:$0x3FB2] =	sst s10  }
0x38: {  	s10 =	sld [smem:$0x3FB3]  }
0x39: {  	_ = 	snop;
	(pc) =	sbr.ind lr, $3  }
0x3a: {  	_ = 	snop  }
0x3b: {  	_ = 	snop  }
0x3c: {  	p2 =	seq.s32 s10, $0x1;
	s10 =	sld [smem:$0x3FB2]  }
0x3d: {  	_ =	shalt  }
0x3e: {  	_ =	shalt  }
0x3f: {  	_ =	shalt  }
0x40: {  	_ =	shalt  }
0x41: {  	_ =	shalt  }
0x42: {  	_ =	shalt  }
0x43: {  	_ =	shalt  }
0x44: {  	_ =	shalt  }
0x45: {  	_ =	shalt  }
0x46: {  	_ =	shalt  }
0x47: {  	_ =	shalt  }
0x48: {  	_ =	shalt  }
0x49: {  	_ =	shalt  }
0x4a: {  	_ =	shalt  }
0x4b: {  	_ =	shalt  }
0x4c: {  	_ =	shalt  }
0x4d: {  	_ =	shalt  }
0x4e: {  	_ =	shalt  }
0x4f: {  	_ =	shalt  }
0x50: {  	_ =	shalt  }
0x51: {  	_ =	shalt  }
0x52: {  	_ =	shalt  }
0x53: {  	_ =	shalt  }
0x54: {  	_ =	shalt  }
0x55: {  	_ =	shalt  }
0x56: {  	_ =	shalt  }
0x57: {  	_ =	shalt  }
0x58: {  	_ =	shalt  }
0x59: {  	_ =	shalt  }
0x5a: {  	_ =	shalt  }
0x5b: {  	_ =	shalt  }
0x5c: {  	_ =	shalt  }
0x5d: {  	_ =	shalt  }
0x5e: {  	_ =	shalt  }
0x5f: {  	_ =	shalt  }
0x60: {  	_ =	shalt  }
0x61: {  	_ =	shalt  }
0x62: {  	_ =	shalt  }
0x63: {  	_ =	shalt  }
0x64: {  	_ =	shalt  }
0x65: {  	_ =	shalt  }
0x66: {  	_ =	shalt  }
0x67: {  	_ =	shalt  }
0x68: {  	_ =	shalt  }
0x69: {  	_ =	shalt  }
0x6a: {  	_ =	shalt  }
0x6b: {  	_ =	shalt  }
0x6c: {  	_ =	shalt  }
0x6d: {  	_ =	shalt  }
0x6e: {  	_ =	shalt  }
0x6f: {  	_ =	shalt  }
0x70: {  	_ =	shalt  }
0x71: {  	_ =	shalt  }
0x72: {  	_ =	shalt  }
0x73: {  	_ =	shalt  }
0x74: {  	_ =	shalt  }
0x75: {  	_ =	shalt  }
0x76: {  	_ =	shalt  }
0x77: {  	_ =	shalt  }
0x78: {  	_ =	shalt  }
0x79: {  	_ =	shalt  }
0x7a: {  	_ =	shalt  }
0x7b: {  	_ =	shalt  }
0x7c: {  	_ =	shalt  }
0x7d: {  	_ =	shalt  }
0x7e: {  	_ =	shalt  }
0x7f: {  	_ =	shalt  }
0x80: {  	_ =	shalt  }
0x81: {  	_ =	shalt  }
0x82: {  	_ =	shalt  }
0x83: {  	_ =	shalt  }
0x84: {  	_ =	shalt  }
0x85: {  	_ =	shalt  }
0x86: {  	_ =	shalt  }
0x87: {  	_ =	shalt  }
.Lfunc_end0:
.L_simem_size_0:
called_computation_lowered:
.L_overlay_start_0:
0x88: {  	s2 =	sld [smem:$0x3FD9]  }
0x89: {  	s3 =	sld [smem:$0x3FFE];
	_ =	sdelay $0x1  }
0x8a: {  	s1 =	srdreg.scid  }
0x8b: {  	s0 =	sand.u32 $0x1, s1  }
0x8c: {  	s17 =	sshll.u32 s0, $0xA;
	s2 =	sadd.s32 s3, s2  }
0x8d: {  	s2 =	sadd.s32 s2, s17  }
0x8e: {  	[smem:$0x3FBE] =	sst s2  }
0x8f: {  	_ = 	snop  }
0x90: {  	s2 =	sld [smem:$0x3FD0];
	(tm) =	ssettm $0x1  }
0x91: {  	s18 =	sld [smem:$0x3FFB];
	_ =	sdelay $0x3  }
0x92: {  	_ =	strace s18  }
0x93: {  	s3 =	sld [smem:$0x3FFC];
	_ =	sdelay $0x3  }
0x94: {  	_ =	strace s3  }
0x95: {  	s3 =	sld [smem:$0x3FFD];
	_ =	sdelay $0x3  }
0x96: {  	_ =	strace s3  }
0x97: {  	_ =	strace $0x8FFFFFFF  }
0x98: {  	s19 =	sld [smem:$0x3FDB];
	_ =	sdelay $0x1  }
0x99: {  	s4 =	simm.s32 $_scs_section_size  }
0x9a: {  	s5 =	simm.s32 $_size__tile_overlayer_lowered;
	s6 =	simm.s32 $_tile_overlayer_lowered  }
0x9b: {  	s22 =	simm.s32 $0x1BFF;
	s21 =	sshll.u32 s6, $0x1;
	s3 =	sadd.s32 s4, s19  }
0x9c: {  	s7 =	simm.s32 $0x0;
	s20 =	sshll.u32 s5, $0x1;
	s5 =	sadd.s32 s21, s3  }
0x9d: {  	[timem:s7], [sflag:s22] =	dma.local [hbm:s5], s20  }
0x9e: {  	_ =	swait.ge [sflag:s22], s20  }
0x9f: {  	s4 =	ssub.s32 $0x0, s20;
	[sflag:s22] =	ssyncset.done $0x0  }
0xa0: {  	[sflag:s22] =	ssyncadd.s32 s4;
	_ =	sdelay $0x1  }
0xa1: {  	s23 =	simm.s32 $0x1B8B  }
0xa2: {  	_ =	swait.ge [sflag:s23], $0x1  }
0xa3: {  	[sflag:s23] =	ssyncset.done $0x0  }
0xa4: {  	s25 =	simm.s32 $0x1B8E;
	s24 =	sld [smem:$0x3FFE];
	[sflag:s23] =	ssyncadd.s32 $0xFFFFFFFF  }
0xa5: {  	s26 =	simm.s32 $execute0_lowered;
	[smem:$0x3FD2] =	sst s25  }
0xa6: {  	s5 =	sshll.u32 s26, $0x1;
	_ =	strace $0x80000046;
	[dreg:$0x1] =	wrdreg $0xFFFFFFFF  }
0xa7: {  	s28 =	simm.s32 $_size_execute0_lowered;
	s3 =	sadd.s32 s3, s5;
	[dreg:$0x0] =	wrdreg $0x0  }
0xa8: {  	s5 =	sshll.u32 s28, $0x1;
	[dreg:$0x2] =	wrdreg s3  }
0xa9: {  	[dreg:$0x3] =	wrdreg s5  }
0xaa: {  	[dreg:$0x4] =	wrdreg $0xC0  }
0xab: {  	_ =	task [dreg:s7], $0x5FFFF  }
0xac: {  	[dreg:$0x1] =	wrdreg $0xFFFFFFFF  }
0xad: {  	[dreg:$0x0] =	wrdreg $0x60  }
0xae: {  	[dreg:$0x2] =	wrdreg s24  }
0xaf: {  	[dreg:$0x3] =	wrdreg s2  }
0xb0: {  	[dreg:$0x4] =	wrdreg $0x9  }
0xb1: {  	_ =	task.clear_ibuf [dreg:s7], $0x5FFFF;
	_ =	strace $0x90000046  }
0xb2: {  	s29 =	simm.s32 $0x9;
	_ =	strace $0x80000048  }
0xb3: {  	_ =	swait.ge [sflag:s29], $0x1  }
0xb4: {  	[sflag:s29] =	ssyncadd.s32 $0xFFFFFFFF  }
0xb5: {  	_ =	strace $0x90000048  }
0xb6: {  	_ =	sfence  }
0xb7: {  	s30 =	sld [smem:$0x0];
	_ =	sdelay $0x2  }
0xb8: {  	s31 =	sshll.u32 s1, $0xD;
	s1 =	sshrl.u32 s1, $0x2  }
0xb9: {  	s3 =	sand.u32 $0x4000, s31;
	s1 =	sadd.s32 s1, s30  }
0xba: {  	s0 =	sor.u32 s3, s0;
	s1 =	sshll.u32 s1, $0x11  }
0xbb: {  	s0 =	sor.u32 s1, s0  }
0xbc: {  	s0 =	sadd.s32 $0x8F2B, s0  }
0xbd: {  	[sflag:s0] =	ssyncadd.remote.s32 $0x1  }
0xbe: {  	_ =	sfence.sel $0xFFFF  }
0xbf: {  	[dreg:$0x0] =	wrdreg $0xFFFFFFFF;
	(pc) =	sbr.abs _section_cstart, $3  }
0xc0: {  	[dreg:$0x1] =	wrdreg $0xFFFFFFFF  }
0xc1: {  	_ =	task.clear_ibuf [dreg:s7], $0x2FFFF;
	_ =	strace $0x9FFFFFFF  }
0xc2: {  	(tm) =	ssettm $0x7FFFFFFF  }
0xc3: {  	_ =	shalt  }
tec
execute0_lowered:
.L_overlay_start_1:
0x0: {  	(tag) =	ssettag $0x1  }
0x1: {  	s0 =	srdreg.scid;
	s3 =	rddreg [dreg:$0x0]  }
0x2: {  	s6 =	rddreg [dreg:$0x1];
	s1 =	stileid.u32;
	s10 =	simm.s32 $0x5000  }
0x3: {  	s11 =	simm.s32 $0x7800;
	s12 =	simm.s32 $0x80;
	s4 =	sand.u32 $0x1, s0  }
0x4: {  	s13 =	simm.s32 $0x400;
	s0 =	rddreg [dreg:$0x2];
	s2 =	sshll.u32 s4, $0x4  }
0x5: {  	s8 =	sshll.u32 s1, $0x7;
	s4 =	ssub.s32 $0x2, s4;
	s5 =	sor.u32 s1, s2  }
0x6: {  	s8 =	sand.u32 $0x380, s8;
	s7 =	smul.u32 $0x500, s5;
	s5 =	sshrl.u32 s5, $0x3  }
0x7: {  	s2 =	simm.s32 $0x0;
	s29 =	sshrl.u32 s4, $0x1;
	s5 =	smul.u32 $0x14000, s5  }
0x8: {  	[smem:$0x7FF] =	sst s2;
	s30 =	ssub.s32 s4, s29;
	s7 =	sadd.s32 s7, s3  }
0x9: {  	_ =	strace $0x80000047;
	s5 =	sor.u32 s8, s5;
	s3 =	sadd.s32 $0xC600, s7  }
0xa: {  	s4 =	sadd.s32 $0x2600, s7;
	s7 =	smax.u32 s30, $0x1;
	s9 =	sadd.s32 $0x50000, s5  }
0xb: {  	s8 =	simm.s32 $0x1;
	s5 =	sshrl.u32 s5, $0x3;
	s31 =	sshrl.u32 s9, $0x3  }
0xc: {  	v0 =	vimm.f32 $0.0e+00;
	v1 =	vimm.f32 $1.000000000e+00;
	s5 =	sadd.s32 s6, s5;
	s9 =	simm.s32 $0x2800;
	s6 =	sadd.s32 s6, s31  }
.LBB2_1:
0xd: {  	s14 =	simm.s32 $0x40;
	s15 =	simm.s32 $0x0  }
.LBB2_2:
0xe: {  	p0 =	sne.s32 s14, $0x9FC0;
	[tilespmem:s15+$0x5000] =	vst v0;
	s16 =	smov.u32 s14;
	s14 =	sadd.s32 $0x40, s14  }
.Ltmp0:
0xf: {  	[tilespmem:s15+$0x7800] =	vst v0;
	(pc) =	sbr.rel @p0 .LBB2_2-.Ltmp0, $2  }
0x10: {  	_ =	sdelay $0x2  }
0x11: {  	s15 =	sshra.s32 s16, $0x2  }
0x12: {  	[tilespmem:s15+$0x5000] =	vst v0  }
0x13: {  	[tilespmem:s15+$0x7800] =	vst v0;
	s14 =	simm.s32 $0x0  }
0x14: {  	[tilespmem:s14], [sflag:$0x1] =	stream.linear.gather [hbm4b:s3+s14], $0x2800, $0x38;
	[tilespmem:$0xA000] =	vst v63  }
0x15: {  	_ =	swait.ge [sflag:s8], $0x2800  }
0x16: {  	[sflag:s8] =	ssyncset.done $0x0  }
0x17: {  	[sflag:s8] =	ssyncadd.s32 $0xFFFFD800  }
0x18: {  	[tilespmem:s9], [sflag:$0x1] =	stream.linear.gather [hbm4b:s4+s14], $0x2800, $0x38;
	[tilespmem:$0xA000] =	vst v63  }
0x19: {  	_ =	swait.ge [sflag:s8], $0x2800  }
0x1a: {  	[sflag:s8] =	ssyncset.done $0x0  }
0x1b: {  	[sflag:s8] =	ssyncadd.s32 $0xFFFFD800  }
.LBB2_4:
0x1c: {  	s15 =	sshra.s32 s14, $0x2  }
0x1d: {  	v2 =	vld [tilespmem:s15+$0x0]  }
0x1e: {  	v3 =	vld [tilespmem:s15+$0x2800];
	_ =	sdelay $0x6  }
0x1f: {  	[tilespmem:v2+s10+$0x0] =	vst.idx.add.f32.msk $0xffff, v1  }
0x20: {  	[tilespmem:v3+s11+$0x0] =	vst.idx.add.f32.msk $0xffff, v1  }
0x21: {  	v2 =	vld [tilespmem:s15+$0x10]  }
0x22: {  	v3 =	vld [tilespmem:s15+$0x2810];
	_ =	sdelay $0x6  }
0x23: {  	[tilespmem:v2+s10+$0x0] =	vst.idx.add.f32.msk $0xffff, v1  }
0x24: {  	[tilespmem:v3+s11+$0x0] =	vst.idx.add.f32.msk $0xffff, v1  }
0x25: {  	v2 =	vld [tilespmem:s15+$0x20]  }
0x26: {  	v3 =	vld [tilespmem:s15+$0x2820];
	_ =	sdelay $0x6  }
0x27: {  	[tilespmem:v2+s10+$0x0] =	vst.idx.add.f32.msk $0xffff, v1  }
0x28: {  	[tilespmem:v3+s11+$0x0] =	vst.idx.add.f32.msk $0xffff, v1  }
0x29: {  	v2 =	vld [tilespmem:s15+$0x30]  }
0x2a: {  	v3 =	vld [tilespmem:s15+$0x2830];
	_ =	sdelay $0x6  }
0x2b: {  	[tilespmem:v2+s10+$0x0] =	vst.idx.add.f32.msk $0xffff, v1  }
0x2c: {  	[tilespmem:v3+s11+$0x0] =	vst.idx.add.f32.msk $0xffff, v1  }
0x2d: {  	v2 =	vld [tilespmem:s15+$0x40]  }
0x2e: {  	v3 =	vld [tilespmem:s15+$0x2840];
	_ =	sdelay $0x6  }
0x2f: {  	[tilespmem:v2+s10+$0x0] =	vst.idx.add.f32.msk $0xffff, v1  }
0x30: {  	[tilespmem:v3+s11+$0x0] =	vst.idx.add.f32.msk $0xffff, v1  }
0x31: {  	v2 =	vld [tilespmem:s15+$0x50]  }
0x32: {  	v3 =	vld [tilespmem:s15+$0x2850];
	_ =	sdelay $0x6  }
0x33: {  	[tilespmem:v2+s10+$0x0] =	vst.idx.add.f32.msk $0xffff, v1  }
0x34: {  	[tilespmem:v3+s11+$0x0] =	vst.idx.add.f32.msk $0xffff, v1  }
0x35: {  	v2 =	vld [tilespmem:s15+$0x60]  }
0x36: {  	v3 =	vld [tilespmem:s15+$0x2860];
	_ =	sdelay $0x6  }
0x37: {  	[tilespmem:v2+s10+$0x0] =	vst.idx.add.f32.msk $0xffff, v1  }
0x38: {  	[tilespmem:v3+s11+$0x0] =	vst.idx.add.f32.msk $0xffff, v1  }
0x39: {  	v2 =	vld [tilespmem:s15+$0x70]  }
0x3a: {  	v3 =	vld [tilespmem:s15+$0x2870];
	_ =	sdelay $0x2  }
0x3b: {  	p0 =	sne.s32 s14, $0x9E00  }
.Ltmp1:
0x3c: {  	_ = 	snop;
	(pc) =	sbr.rel @p0 .LBB2_4-.Ltmp1, $3  }
0x3d: {  	_ =	sdelay $0x1  }
0x3e: {  	[tilespmem:v2+s10+$0x0] =	vst.idx.add.f32.msk $0xffff, v1  }
0x3f: {  	s14 =	sadd.s32 $0x200, s14;
	[tilespmem:v3+s11+$0x0] =	vst.idx.add.f32.msk $0xffff, v1  }
0x40: {  	[hbm4b:s5+s12] =	stream.strided.scatter [tilespmem:s10], [sflag:$0x1], $0x2800, s13, s12, $0x38;
	[tilespmem:$0xA000] =	vst v63  }
0x41: {  	s2 =	sadd.s32 $0x1, s2;
	_ =	swait.ge [sflag:s8], $0x2800  }
0x42: {  	p0 =	sne.s32 s2, s7;
	[sflag:s8] =	ssyncset.done $0x0  }
.Ltmp2:
0x43: {  	[sflag:s8] =	ssyncadd.s32 $0xFFFFD800;
	(pc) =	sbr.rel @p0 .LBB2_1-.Ltmp2, $4  }
0x44: {  	[hbm4b:s6+s12] =	stream.strided.scatter [tilespmem:s11], [sflag:$0x1], $0x2800, s13, s12, $0x38;
	[tilespmem:$0xA000] =	vst v63  }
0x45: {  	_ =	swait.ge [sflag:s8], $0x2800  }
0x46: {  	[sflag:s8] =	ssyncset.done $0x0  }
0x47: {  	[sflag:s8] =	ssyncadd.s32 $0xFFFFD800  }
0x48: {  	_ =	sfence.sel $0x180000  }
0x49: {  	[bflag:$0x0] =	sbarrier.arrive $0xFFFF  }
0x4a: {  	p0 =	sne.s32 s1, $0x0;
	_ =	strace $0x90000047  }
0x4b: {  	s0 =	sadd.s32 @!p0 $0x100000, s0;
	[bflag:$0x2] =	sbarrier.arrive $0xFFFF  }
0x4c: {  	[sflag:s0] =	ssyncadd.tile.s32 @!p0 $0x1;
	_ =	shalt  }
.Lfunc_end2:
_tile_overlayer_lowered:
.L_overlay_start_2:
0x4d: {  	(tag) =	ssettag $0x2  }
0x4e: {  	s0 =	rddreg [dreg:$0x0];
	s2 =	stileid.u32  }
0x4f: {  	s1 =	rddreg [dreg:$0x1];
	p0 =	sne.s32 s2, $0x0  }
0x50: {  	s3 =	rddreg [dreg:$0x2];
	[bflag:$0x3] =	sbarrier.arrive $0xFFFF;
	s2 =	simm.s32 @!p0 $0x1C01  }
0x51: {  	[timem:s3], [sflag:s2] =	dma.local @!p0 [hbm:s0], s1  }
0x52: {  	s0 =	simm.s32 @!p0 $0x1  }
0x53: {  	_ =	swait.ge @!p0 [sflag:s0], s1  }
0x54: {  	s1 =	ssub.s32 @!p0 $0x0, s1;
	[sflag:s0] =	ssyncset.done @!p0 $0x0  }
0x55: {  	[sflag:s0] =	ssyncadd.s32 @!p0 s1  }
0x56: {  	[bflag:$0x3] =	sbarrier.arrive $0xFFFF  }
0x57: {  	_ =	shalt  }

</sc_bundles>
